<compile_context>
chip_gen: v7x
topology: tpu7x:2x2x1
jax: 0.10.2.dev20260603
libtpu: 0.0.44.dev20260713+nightly
codegen_flags: <defaults>
</compile_context>

<pallas_src>
import functools

import jax
import jax.numpy as jnp
from jax import lax
from jax.experimental import pallas as pl
from jax.experimental.pallas import tpu as pltpu
from jax.experimental.pallas import tpu_sc as plsc

_N = 10000
_D = 256
_H = 256
_HALF = 128
_E = 160000
_NTILES = 16
_CH = 128
_EPT = _E // _NTILES
_NCH = (_EPT + _CH - 1) // _CH
_RPT = 624
_TAIL0 = 15 * _RPT
_TAIL = _N - _TAIL0
_N_PAD = _N + 16
_SCALE = 0.7071067811865476
_BR = 1000
_NB = _N // _BR


def _segsum_body(xa, xb, srcT, dstT, outa, outb, acc, srcb, dstb, gbuf, gsem):
    cid = lax.axis_index("c")
    sid = lax.axis_index("s")
    r0 = sid * _RPT

    pltpu.sync_copy(srcT.at[sid], srcb)
    pltpu.sync_copy(dstT.at[sid], dstb)

    @pl.when(cid == 0)
    def _():
        @pl.when(sid < 15)
        def _():
            pltpu.sync_copy(xa.at[pl.ds(r0, _RPT)], acc.at[pl.ds(r0, _RPT)])

        @pl.when(sid == 15)
        def _():
            pltpu.sync_copy(xa.at[pl.ds(_TAIL0, _TAIL)],
                            acc.at[pl.ds(_TAIL0, _TAIL)])

    @pl.when(cid == 1)
    def _():
        @pl.when(sid < 15)
        def _():
            pltpu.sync_copy(xb.at[pl.ds(r0, _RPT)], acc.at[pl.ds(r0, _RPT)])

        @pl.when(sid == 15)
        def _():
            pltpu.sync_copy(xb.at[pl.ds(_TAIL0, _TAIL)],
                            acc.at[pl.ds(_TAIL0, _TAIL)])

    plsc.subcore_barrier()

    def chunk(j, carry):
        @pl.when(cid == 0)
        def _():
            pltpu.async_copy(xa.at[srcb.at[j]], gbuf, gsem).wait()

        @pl.when(cid == 1)
        def _():
            pltpu.async_copy(xb.at[srcb.at[j]], gbuf, gsem).wait()

        pltpu.sync_copy(gbuf, acc.at[dstb.at[j]], add=True)
        return carry

    lax.fori_loop(0, _NCH, chunk, 0)
    plsc.subcore_barrier()

    @pl.when(cid == 0)
    def _():
        @pl.when(sid < 15)
        def _():
            pltpu.sync_copy(acc.at[pl.ds(r0, _RPT)], outa.at[pl.ds(r0, _RPT)])

        @pl.when(sid == 15)
        def _():
            pltpu.sync_copy(acc.at[pl.ds(_TAIL0, _TAIL)],
                            outa.at[pl.ds(_TAIL0, _TAIL)])

    @pl.when(cid == 1)
    def _():
        @pl.when(sid < 15)
        def _():
            pltpu.sync_copy(acc.at[pl.ds(r0, _RPT)], outb.at[pl.ds(r0, _RPT)])

        @pl.when(sid == 15)
        def _():
            pltpu.sync_copy(acc.at[pl.ds(_TAIL0, _TAIL)],
                            outb.at[pl.ds(_TAIL0, _TAIL)])


@functools.cache
def _make_segsum():
    return pl.kernel(
        _segsum_body,
        out_type=(jax.ShapeDtypeStruct((_N, _HALF), jnp.float32),
                  jax.ShapeDtypeStruct((_N, _HALF), jnp.float32)),
        mesh=plsc.VectorSubcoreMesh(core_axis_name="c", subcore_axis_name="s"),
        scratch_types=[
            pltpu.VMEM_SHARED((_N_PAD, _HALF), jnp.float32),
            pltpu.VMEM((_NCH, _CH), jnp.int32),
            pltpu.VMEM((_NCH, _CH), jnp.int32),
            pltpu.VMEM((_CH, _HALF), jnp.float32),
            pltpu.SemaphoreType.DMA,
        ],
    )


def _fc_body(inp, w, b, outa, outb):
    x = jnp.dot(inp[...], w[...], preferred_element_type=jnp.float32) + b[...]
    outa[...] = x[:, :_HALF]
    outb[...] = x[:, _HALF:]


def _mid_body(sa, sb, xa, xb, w, b, outa, outb):
    h = (jnp.dot(sa[...], w[0:_HALF, :], preferred_element_type=jnp.float32)
         + jnp.dot(sb[...], w[_HALF:_H, :], preferred_element_type=jnp.float32)
         + b[...])
    outa[...] = (xa[...] + h[:, :_HALF]) * _SCALE
    outb[...] = (xb[...] + h[:, _HALF:]) * _SCALE


def _final_bn_body(sa, sb, xa, xb, w, b, g, bt, out, y_scr, sum_scr, sq_scr):
    p = pl.program_id(0)
    i = pl.program_id(1)

    @pl.when(p == 0)
    def _():
        h = (jnp.dot(sa[...], w[0:_HALF, :], preferred_element_type=jnp.float32)
             + jnp.dot(sb[...], w[_HALF:_H, :],
                       preferred_element_type=jnp.float32)
             + b[...])
        xfull = jnp.concatenate([xa[...], xb[...]], axis=1)
        y = (xfull + h) * _SCALE
        y_scr[pl.ds(i * _BR, _BR), :] = y

        @pl.when(i == 0)
        def _():
            sum_scr[...] = jnp.zeros_like(sum_scr)
            sq_scr[...] = jnp.zeros_like(sq_scr)

        sum_scr[...] += jnp.sum(y, axis=0, keepdims=True)
        sq_scr[...] += jnp.sum(y * y, axis=0, keepdims=True)

    @pl.when(p == 1)
    def _():
        mean = sum_scr[...] / _N
        var = sq_scr[...] / _N - mean * mean
        rstd = lax.rsqrt(var + 1e-5)
        sc = rstd * g[...]
        sh = bt[...] - mean * sc
        out[...] = y_scr[pl.ds(i * _BR, _BR), :] * sc + sh


def _row_spec(width):
    return pl.BlockSpec((_BR, width), lambda i: (i, 0))


def _full_spec(shape):
    return pl.BlockSpec(shape, lambda i: (0,) * len(shape))


def _fc(inputs, w, b):
    return pl.pallas_call(
        _fc_body,
        grid=(_NB,),
        in_specs=[_row_spec(_D), _full_spec((_D, _H)), _full_spec((1, _H))],
        out_specs=(_row_spec(_HALF), _row_spec(_HALF)),
        out_shape=(jax.ShapeDtypeStruct((_N, _HALF), jnp.float32),) * 2,
    )(inputs, w, b)


def _mid(sa, sb, xa, xb, w, b):
    return pl.pallas_call(
        _mid_body,
        grid=(_NB,),
        in_specs=[_row_spec(_HALF)] * 4 + [_full_spec((_H, _H)), _full_spec((1, _H))],
        out_specs=(_row_spec(_HALF), _row_spec(_HALF)),
        out_shape=(jax.ShapeDtypeStruct((_N, _HALF), jnp.float32),) * 2,
    )(sa, sb, xa, xb, w, b)


def _final_bn(sa, sb, xa, xb, w, b, g, bt):
    in_spec = pl.BlockSpec((_BR, _HALF), lambda p, i: (i * (1 - p), 0))
    wide = lambda shape: pl.BlockSpec(shape, lambda p, i: (0,) * len(shape))
    return pl.pallas_call(
        _final_bn_body,
        grid=(2, _NB),
        in_specs=[in_spec] * 4 + [wide((_H, _H)), wide((1, _H)),
                                  wide((1, _H)), wide((1, _H))],
        out_specs=pl.BlockSpec((_BR, _H), lambda p, i: (i * p, 0)),
        out_shape=jax.ShapeDtypeStruct((_N, _H), jnp.float32),
        scratch_shapes=[pltpu.VMEM((_N, _H), jnp.float32),
                        pltpu.VMEM((1, _H), jnp.float32),
                        pltpu.VMEM((1, _H), jnp.float32)],
        compiler_params=pltpu.CompilerParams(
            dimension_semantics=("arbitrary", "arbitrary")),
    )(sa, sb, xa, xb, w, b, g, bt)


def kernel(clm_all, inputs, fc_W, fc_b, W1, b1, W2, b2, gamma, beta):
    src = clm_all[0]
    dst = clm_all[1]
    pad = _NCH * _CH
    srcT = jnp.zeros((_NTILES, pad), jnp.int32).at[:, :_EPT].set(
        src.reshape(_NTILES, _EPT)).reshape(_NTILES, _NCH, _CH)
    dstT = jnp.full((_NTILES, pad), _N, jnp.int32).at[:, :_EPT].set(
        dst.reshape(_NTILES, _EPT)).reshape(_NTILES, _NCH, _CH)

    b_fc = fc_b.reshape(1, _H)
    b_1 = b1.reshape(1, _H)
    b_2 = b2.reshape(1, _H)
    g2 = gamma.reshape(1, _H)
    bt2 = beta.reshape(1, _H)

    segsum = _make_segsum()
    xa, xb = _fc(inputs, fc_W, b_fc)
    sa, sb = segsum(xa, xb, srcT, dstT)
    x1a, x1b = _mid(sa, sb, xa, xb, W1, b_1)
    s2a, s2b = segsum(x1a, x1b, srcT, dstT)
    return _final_bn(s2a, s2b, x1a, x1b, W2, b_2, g2, bt2)

# --- scband reference (transcript-rebuilt; emitter-appended) ---
"""Pipeline reference for scband-network-representation-module-gin-residual-57346403336485 (READ-ONLY COPY).

The authoritative reference and input builder live on the scoring server;
editing this copy changes nothing except your own understanding.
"""

import jax, jax.numpy as jnp
import numpy as np

N = 10000
E = 160000
D = 256
H = 256


def setup_inputs(seed: int = 0) -> dict:
    key = jax.random.key(seed)
    ks = jax.random.split(key, 10)
    clm_all = jax.random.randint(ks[0], (2, E), 0, N, dtype=jnp.int32)
    inputs = jax.random.normal(ks[1], (N, D), dtype=jnp.float32)
    s = 0.02
    fc_W = jax.random.normal(ks[2], (D, H), dtype=jnp.float32) * s
    fc_b = jnp.zeros((H,), dtype=jnp.float32)
    W1 = jax.random.normal(ks[3], (H, H), dtype=jnp.float32) * s
    b1 = jnp.zeros((H,), dtype=jnp.float32)
    W2 = jax.random.normal(ks[4], (H, H), dtype=jnp.float32) * s
    b2 = jnp.zeros((H,), dtype=jnp.float32)
    gamma = jnp.ones((H,), dtype=jnp.float32)
    beta = jnp.zeros((H,), dtype=jnp.float32)
    return {"clm_all": clm_all, "inputs": inputs, "fc_W": fc_W, "fc_b": fc_b,
            "W1": W1, "b1": b1, "W2": W2, "b2": b2, "gamma": gamma, "beta": beta}


def _gin_conv(x, src, dst, W, b):
    # GIN aggregation (eps=0): (x + sum_{j in N(i)} x_j) followed by linear apply
    msgs = jnp.take(x, src, axis=0)
    agg = jax.ops.segment_sum(msgs, dst, num_segments=N)
    return (x + agg) @ W + b


def reference(clm_all, inputs, fc_W, fc_b, W1, b1, W2, b2, gamma, beta):
    src = clm_all[0]
    dst = clm_all[1]
    scale = jnp.sqrt(jnp.float32(0.5))
    x = inputs @ fc_W + fc_b
    h = _gin_conv(x, src, dst, W1, b1)   # conv2_1
    x = (x + h) * scale
    h = _gin_conv(x, src, dst, W2, b2)   # conv2
    x = (x + h) * scale
    # BatchNorm1d (training mode: batch statistics over node axis)
    mean = jnp.mean(x, axis=0)
    var = jnp.var(x, axis=0)
    x = (x - mean) / jnp.sqrt(var + 1e-5) * gamma + beta
    return x

if __name__ == "__main__":
    import jax
    _d = setup_inputs()
    print(jax.jit(kernel)(*tuple(_d.values())))

</pallas_src>

<mosaic_0001>
#map = affine_map<(d0, d1) -> (0, 0)>
#map1 = affine_map<(d0, d1) -> (0, 0, 0)>
module attributes {stable_mosaic.version = 14 : i64} {
  func.func @_segsum_body(%arg0: i32, %arg1: i32, %arg2: memref<10000x128xf32, #tpu.memory_space<hbm>>, %arg3: memref<10000x128xf32, #tpu.memory_space<hbm>>, %arg4: memref<16x79x128xi32, #tpu.memory_space<hbm>>, %arg5: memref<16x79x128xi32, #tpu.memory_space<hbm>>, %arg6: memref<10000x128xf32, #tpu.memory_space<hbm>>, %arg7: memref<10000x128xf32, #tpu.memory_space<hbm>>, %arg8: memref<10016x128xf32, #tpu.memory_space<vmem_shared>>, %arg9: memref<79x128xi32, #tpu.memory_space<vmem>>, %arg10: memref<79x128xi32, #tpu.memory_space<vmem>>, %arg11: memref<128x128xf32, #tpu.memory_space<vmem>>, %arg12: memref<!tpu.dma_semaphore, #tpu.memory_space<semaphore_mem>>) attributes {dimension_semantics = [#tpu.dimension_semantics<core_parallel>, #tpu.dimension_semantics<subcore_parallel>], iteration_bounds = array<i64: 2, 16>, scalar_prefetch = 0 : i64, scratch_operands = 5 : i64, tpu.core_type = #tpu.core_type<sc_vector_subcore>, window_params = [{transform_indices = #map}, {transform_indices = #map}, {transform_indices = #map1}, {transform_indices = #map1}, {transform_indices = #map}, {transform_indices = #map}]} {
    %mul3A = arith.constant 624 : i32
    %mul3A_0 = arith.muli %arg1, %mul3A : i32
    "tpu.region"() ({
      %run_scoped3A = tpu.sem_alloc : memref<!tpu.dma_semaphore, #tpu.memory_space<semaphore_mem>>
      %dma_start3A = arith.constant 0 : i32
      %dma_start3A_24 = arith.constant 0 : i32
      %dma_start3A_25 = tpu.memref_slice %arg4[%arg1, %dma_start3A, %dma_start3A_24] : memref<16x79x128xi32, #tpu.memory_space<hbm>> -> memref<1x79x128xi32, #tpu.memory_space<hbm>>
      %dma_start3A_26 = tpu.memref_squeeze %dma_start3A_25 : memref<1x79x128xi32, #tpu.memory_space<hbm>> -> memref<79x128xi32, #tpu.memory_space<hbm>>
      %dma_start3A_27 = arith.constant 0 : i32
      %dma_start3A_28 = arith.constant 0 : i32
      %dma_start3A_29 = tpu.memref_slice %arg4[%arg1, %dma_start3A_27, %dma_start3A_28] : memref<16x79x128xi32, #tpu.memory_space<hbm>> -> memref<1x79x128xi32, #tpu.memory_space<hbm>>
      %dma_start3A_30 = tpu.memref_squeeze %dma_start3A_29 : memref<1x79x128xi32, #tpu.memory_space<hbm>> -> memref<79x128xi32, #tpu.memory_space<hbm>>
      tpu.enqueue_dma source(%dma_start3A_30 : memref<79x128xi32, #tpu.memory_space<hbm>>) target(%arg9 : memref<79x128xi32, #tpu.memory_space<vmem>>) target_semaphore(%run_scoped3A : memref<!tpu.dma_semaphore, #tpu.memory_space<semaphore_mem>>)
      %dma_wait3A = arith.constant 0 : i32
      %dma_wait3A_31 = arith.constant 0 : i32
      %dma_wait3A_32 = tpu.memref_slice %arg4[%arg1, %dma_wait3A, %dma_wait3A_31] : memref<16x79x128xi32, #tpu.memory_space<hbm>> -> memref<1x79x128xi32, #tpu.memory_space<hbm>>
      %dma_wait3A_33 = tpu.memref_squeeze %dma_wait3A_32 : memref<1x79x128xi32, #tpu.memory_space<hbm>> -> memref<79x128xi32, #tpu.memory_space<hbm>>
      %dma_wait3A_34 = arith.constant 0 : i32
      %dma_wait3A_35 = arith.constant 0 : i32
      %dma_wait3A_36 = tpu.memref_slice %arg4[%arg1, %dma_wait3A_34, %dma_wait3A_35] : memref<16x79x128xi32, #tpu.memory_space<hbm>> -> memref<1x79x128xi32, #tpu.memory_space<hbm>>
      %dma_wait3A_37 = tpu.memref_squeeze %dma_wait3A_36 : memref<1x79x128xi32, #tpu.memory_space<hbm>> -> memref<79x128xi32, #tpu.memory_space<hbm>>
      tpu.wait_dma2 semaphore(%run_scoped3A : memref<!tpu.dma_semaphore, #tpu.memory_space<semaphore_mem>>) src(%dma_wait3A_37 : memref<79x128xi32, #tpu.memory_space<hbm>>) dst(%arg9 : memref<79x128xi32, #tpu.memory_space<vmem>>)
      tpu.yield
    }) : () -> ()
    "tpu.region"() ({
      %run_scoped3A = tpu.sem_alloc : memref<!tpu.dma_semaphore, #tpu.memory_space<semaphore_mem>>
      %dma_start3A = arith.constant 0 : i32
      %dma_start3A_24 = arith.constant 0 : i32
      %dma_start3A_25 = tpu.memref_slice %arg5[%arg1, %dma_start3A, %dma_start3A_24] : memref<16x79x128xi32, #tpu.memory_space<hbm>> -> memref<1x79x128xi32, #tpu.memory_space<hbm>>
      %dma_start3A_26 = tpu.memref_squeeze %dma_start3A_25 : memref<1x79x128xi32, #tpu.memory_space<hbm>> -> memref<79x128xi32, #tpu.memory_space<hbm>>
      %dma_start3A_27 = arith.constant 0 : i32
      %dma_start3A_28 = arith.constant 0 : i32
      %dma_start3A_29 = tpu.memref_slice %arg5[%arg1, %dma_start3A_27, %dma_start3A_28] : memref<16x79x128xi32, #tpu.memory_space<hbm>> -> memref<1x79x128xi32, #tpu.memory_space<hbm>>
      %dma_start3A_30 = tpu.memref_squeeze %dma_start3A_29 : memref<1x79x128xi32, #tpu.memory_space<hbm>> -> memref<79x128xi32, #tpu.memory_space<hbm>>
      tpu.enqueue_dma source(%dma_start3A_30 : memref<79x128xi32, #tpu.memory_space<hbm>>) target(%arg10 : memref<79x128xi32, #tpu.memory_space<vmem>>) target_semaphore(%run_scoped3A : memref<!tpu.dma_semaphore, #tpu.memory_space<semaphore_mem>>)
      %dma_wait3A = arith.constant 0 : i32
      %dma_wait3A_31 = arith.constant 0 : i32
      %dma_wait3A_32 = tpu.memref_slice %arg5[%arg1, %dma_wait3A, %dma_wait3A_31] : memref<16x79x128xi32, #tpu.memory_space<hbm>> -> memref<1x79x128xi32, #tpu.memory_space<hbm>>
      %dma_wait3A_33 = tpu.memref_squeeze %dma_wait3A_32 : memref<1x79x128xi32, #tpu.memory_space<hbm>> -> memref<79x128xi32, #tpu.memory_space<hbm>>
      %dma_wait3A_34 = arith.constant 0 : i32
      %dma_wait3A_35 = arith.constant 0 : i32
      %dma_wait3A_36 = tpu.memref_slice %arg5[%arg1, %dma_wait3A_34, %dma_wait3A_35] : memref<16x79x128xi32, #tpu.memory_space<hbm>> -> memref<1x79x128xi32, #tpu.memory_space<hbm>>
      %dma_wait3A_37 = tpu.memref_squeeze %dma_wait3A_36 : memref<1x79x128xi32, #tpu.memory_space<hbm>> -> memref<79x128xi32, #tpu.memory_space<hbm>>
      tpu.wait_dma2 semaphore(%run_scoped3A : memref<!tpu.dma_semaphore, #tpu.memory_space<semaphore_mem>>) src(%dma_wait3A_37 : memref<79x128xi32, #tpu.memory_space<hbm>>) dst(%arg10 : memref<79x128xi32, #tpu.memory_space<vmem>>)
      tpu.yield
    }) : () -> ()
    %eq3A = arith.constant 0 : i32
    %eq3A_1 = arith.cmpi eq, %arg0, %eq3A : i32
    %convert_element_type3A = arith.extui %eq3A_1 : i1 to i32
    %cond3A = arith.constant 0 : i32
    %cond3A_2 = arith.cmpi ne, %convert_element_type3A, %cond3A : i32
    scf.if %cond3A_2 {
      %lt3A = arith.constant 15 : i32
      %lt3A_24 = arith.cmpi slt, %arg1, %lt3A : i32
      %convert_element_type3A_25 = arith.extui %lt3A_24 : i1 to i32
      %cond3A_26 = arith.constant 0 : i32
      %cond3A_27 = arith.cmpi ne, %convert_element_type3A_25, %cond3A_26 : i32
      scf.if %cond3A_27 {
        "tpu.region"() ({
          %run_scoped3A = tpu.sem_alloc : memref<!tpu.dma_semaphore, #tpu.memory_space<semaphore_mem>>
          %dma_start3A = arith.constant 0 : i32
          %dma_start3A_33 = tpu.memref_slice %arg8[%mul3A_0, %dma_start3A] : memref<10016x128xf32, #tpu.memory_space<vmem_shared>> -> memref<624x128xf32, #tpu.memory_space<vmem_shared>>
          %dma_start3A_34 = arith.constant 0 : i32
          %dma_start3A_35 = tpu.memref_slice %arg2[%mul3A_0, %dma_start3A_34] : memref<10000x128xf32, #tpu.memory_space<hbm>> -> memref<624x128xf32, #tpu.memory_space<hbm>>
          tpu.enqueue_dma source(%dma_start3A_35 : memref<624x128xf32, #tpu.memory_space<hbm>>) target(%dma_start3A_33 : memref<624x128xf32, #tpu.memory_space<vmem_shared>>) target_semaphore(%run_scoped3A : memref<!tpu.dma_semaphore, #tpu.memory_space<semaphore_mem>>)
          %dma_wait3A = arith.constant 0 : i32
          %dma_wait3A_36 = tpu.memref_slice %arg8[%mul3A_0, %dma_wait3A] : memref<10016x128xf32, #tpu.memory_space<vmem_shared>> -> memref<624x128xf32, #tpu.memory_space<vmem_shared>>
          %dma_wait3A_37 = arith.constant 0 : i32
          %dma_wait3A_38 = tpu.memref_slice %arg2[%mul3A_0, %dma_wait3A_37] : memref<10000x128xf32, #tpu.memory_space<hbm>> -> memref<624x128xf32, #tpu.memory_space<hbm>>
          tpu.wait_dma2 semaphore(%run_scoped3A : memref<!tpu.dma_semaphore, #tpu.memory_space<semaphore_mem>>) src(%dma_wait3A_38 : memref<624x128xf32, #tpu.memory_space<hbm>>) dst(%dma_wait3A_36 : memref<624x128xf32, #tpu.memory_space<vmem_shared>>)
          tpu.yield
        }) : () -> ()
      } else {
      }
      %eq3A_28 = arith.constant 15 : i32
      %eq3A_29 = arith.cmpi eq, %arg1, %eq3A_28 : i32
      %convert_element_type3A_30 = arith.extui %eq3A_29 : i1 to i32
      %cond3A_31 = arith.constant 0 : i32
      %cond3A_32 = arith.cmpi ne, %convert_element_type3A_30, %cond3A_31 : i32
      scf.if %cond3A_32 {
        "tpu.region"() ({
          %run_scoped3A = tpu.sem_alloc : memref<!tpu.dma_semaphore, #tpu.memory_space<semaphore_mem>>
          %dma_start3A = arith.constant 9360 : i32
          %dma_start3A_33 = arith.constant 0 : i32
          %dma_start3A_34 = tpu.memref_slice %arg8[%dma_start3A, %dma_start3A_33] : memref<10016x128xf32, #tpu.memory_space<vmem_shared>> -> memref<640x128xf32, #tpu.memory_space<vmem_shared>>
          %dma_start3A_35 = arith.constant 9360 : i32
          %dma_start3A_36 = arith.constant 0 : i32
          %dma_start3A_37 = tpu.memref_slice %arg2[%dma_start3A_35, %dma_start3A_36] : memref<10000x128xf32, #tpu.memory_space<hbm>> -> memref<640x128xf32, #tpu.memory_space<hbm>>
          tpu.enqueue_dma source(%dma_start3A_37 : memref<640x128xf32, #tpu.memory_space<hbm>>) target(%dma_start3A_34 : memref<640x128xf32, #tpu.memory_space<vmem_shared>>) target_semaphore(%run_scoped3A : memref<!tpu.dma_semaphore, #tpu.memory_space<semaphore_mem>>)
          %dma_wait3A = arith.constant 9360 : i32
          %dma_wait3A_38 = arith.constant 0 : i32
          %dma_wait3A_39 = tpu.memref_slice %arg8[%dma_wait3A, %dma_wait3A_38] : memref<10016x128xf32, #tpu.memory_space<vmem_shared>> -> memref<640x128xf32, #tpu.memory_space<vmem_shared>>
          %dma_wait3A_40 = arith.constant 9360 : i32
          %dma_wait3A_41 = arith.constant 0 : i32
          %dma_wait3A_42 = tpu.memref_slice %arg2[%dma_wait3A_40, %dma_wait3A_41] : memref<10000x128xf32, #tpu.memory_space<hbm>> -> memref<640x128xf32, #tpu.memory_space<hbm>>
          tpu.wait_dma2 semaphore(%run_scoped3A : memref<!tpu.dma_semaphore, #tpu.memory_space<semaphore_mem>>) src(%dma_wait3A_42 : memref<640x128xf32, #tpu.memory_space<hbm>>) dst(%dma_wait3A_39 : memref<640x128xf32, #tpu.memory_space<vmem_shared>>)
          tpu.yield
        }) : () -> ()
      } else {
      }
    } else {
    }
    %eq3A_3 = arith.constant 1 : i32
    %eq3A_4 = arith.cmpi eq, %arg0, %eq3A_3 : i32
    %convert_element_type3A_5 = arith.extui %eq3A_4 : i1 to i32
    %cond3A_6 = arith.constant 0 : i32
    %cond3A_7 = arith.cmpi ne, %convert_element_type3A_5, %cond3A_6 : i32
    scf.if %cond3A_7 {
      %lt3A = arith.constant 15 : i32
      %lt3A_24 = arith.cmpi slt, %arg1, %lt3A : i32
      %convert_element_type3A_25 = arith.extui %lt3A_24 : i1 to i32
      %cond3A_26 = arith.constant 0 : i32
      %cond3A_27 = arith.cmpi ne, %convert_element_type3A_25, %cond3A_26 : i32
      scf.if %cond3A_27 {
        "tpu.region"() ({
          %run_scoped3A = tpu.sem_alloc : memref<!tpu.dma_semaphore, #tpu.memory_space<semaphore_mem>>
          %dma_start3A = arith.constant 0 : i32
          %dma_start3A_33 = tpu.memref_slice %arg8[%mul3A_0, %dma_start3A] : memref<10016x128xf32, #tpu.memory_space<vmem_shared>> -> memref<624x128xf32, #tpu.memory_space<vmem_shared>>
          %dma_start3A_34 = arith.constant 0 : i32
          %dma_start3A_35 = tpu.memref_slice %arg3[%mul3A_0, %dma_start3A_34] : memref<10000x128xf32, #tpu.memory_space<hbm>> -> memref<624x128xf32, #tpu.memory_space<hbm>>
          tpu.enqueue_dma source(%dma_start3A_35 : memref<624x128xf32, #tpu.memory_space<hbm>>) target(%dma_start3A_33 : memref<624x128xf32, #tpu.memory_space<vmem_shared>>) target_semaphore(%run_scoped3A : memref<!tpu.dma_semaphore, #tpu.memory_space<semaphore_mem>>)
          %dma_wait3A = arith.constant 0 : i32
          %dma_wait3A_36 = tpu.memref_slice %arg8[%mul3A_0, %dma_wait3A] : memref<10016x128xf32, #tpu.memory_space<vmem_shared>> -> memref<624x128xf32, #tpu.memory_space<vmem_shared>>
          %dma_wait3A_37 = arith.constant 0 : i32
          %dma_wait3A_38 = tpu.memref_slice %arg3[%mul3A_0, %dma_wait3A_37] : memref<10000x128xf32, #tpu.memory_space<hbm>> -> memref<624x128xf32, #tpu.memory_space<hbm>>
          tpu.wait_dma2 semaphore(%run_scoped3A : memref<!tpu.dma_semaphore, #tpu.memory_space<semaphore_mem>>) src(%dma_wait3A_38 : memref<624x128xf32, #tpu.memory_space<hbm>>) dst(%dma_wait3A_36 : memref<624x128xf32, #tpu.memory_space<vmem_shared>>)
          tpu.yield
        }) : () -> ()
      } else {
      }
      %eq3A_28 = arith.constant 15 : i32
      %eq3A_29 = arith.cmpi eq, %arg1, %eq3A_28 : i32
      %convert_element_type3A_30 = arith.extui %eq3A_29 : i1 to i32
      %cond3A_31 = arith.constant 0 : i32
      %cond3A_32 = arith.cmpi ne, %convert_element_type3A_30, %cond3A_31 : i32
      scf.if %cond3A_32 {
        "tpu.region"() ({
          %run_scoped3A = tpu.sem_alloc : memref<!tpu.dma_semaphore, #tpu.memory_space<semaphore_mem>>
          %dma_start3A = arith.constant 9360 : i32
          %dma_start3A_33 = arith.constant 0 : i32
          %dma_start3A_34 = tpu.memref_slice %arg8[%dma_start3A, %dma_start3A_33] : memref<10016x128xf32, #tpu.memory_space<vmem_shared>> -> memref<640x128xf32, #tpu.memory_space<vmem_shared>>
          %dma_start3A_35 = arith.constant 9360 : i32
          %dma_start3A_36 = arith.constant 0 : i32
          %dma_start3A_37 = tpu.memref_slice %arg3[%dma_start3A_35, %dma_start3A_36] : memref<10000x128xf32, #tpu.memory_space<hbm>> -> memref<640x128xf32, #tpu.memory_space<hbm>>
          tpu.enqueue_dma source(%dma_start3A_37 : memref<640x128xf32, #tpu.memory_space<hbm>>) target(%dma_start3A_34 : memref<640x128xf32, #tpu.memory_space<vmem_shared>>) target_semaphore(%run_scoped3A : memref<!tpu.dma_semaphore, #tpu.memory_space<semaphore_mem>>)
          %dma_wait3A = arith.constant 9360 : i32
          %dma_wait3A_38 = arith.constant 0 : i32
          %dma_wait3A_39 = tpu.memref_slice %arg8[%dma_wait3A, %dma_wait3A_38] : memref<10016x128xf32, #tpu.memory_space<vmem_shared>> -> memref<640x128xf32, #tpu.memory_space<vmem_shared>>
          %dma_wait3A_40 = arith.constant 9360 : i32
          %dma_wait3A_41 = arith.constant 0 : i32
          %dma_wait3A_42 = tpu.memref_slice %arg3[%dma_wait3A_40, %dma_wait3A_41] : memref<10000x128xf32, #tpu.memory_space<hbm>> -> memref<640x128xf32, #tpu.memory_space<hbm>>
          tpu.wait_dma2 semaphore(%run_scoped3A : memref<!tpu.dma_semaphore, #tpu.memory_space<semaphore_mem>>) src(%dma_wait3A_42 : memref<640x128xf32, #tpu.memory_space<hbm>>) dst(%dma_wait3A_39 : memref<640x128xf32, #tpu.memory_space<vmem_shared>>)
          tpu.yield
        }) : () -> ()
      } else {
      }
    } else {
    }
    %barrier3A = arith.constant 0 : index
    tpu.barrier barrier_id(%barrier3A)
    %scan3A = arith.constant 0 : i32
    %scan3A_8 = arith.constant 0 : i32
    %scan3A_9 = arith.constant 79 : i32
    %scan3A_10 = arith.addi %scan3A_8, %scan3A_9 : i32
    %scan3A_11 = arith.constant 1 : i32
    scf.for %scan3A_24 = %scan3A_8 to %scan3A_10 step %scan3A_11  : i32 {
      %eq3A_25 = arith.constant 0 : i32
      %eq3A_26 = arith.cmpi eq, %arg0, %eq3A_25 : i32
      %convert_element_type3A_27 = arith.extui %eq3A_26 : i1 to i32
      %cond3A_28 = arith.constant 0 : i32
      %cond3A_29 = arith.cmpi ne, %convert_element_type3A_27, %cond3A_28 : i32
      scf.if %cond3A_29 {
        %dma_start3A = arith.constant 0 : i32
        %dma_start3A_35 = tpu.memref_slice %arg9[%scan3A_24, %dma_start3A] : memref<79x128xi32, #tpu.memory_space<vmem>> -> memref<1x128xi32, #tpu.memory_space<vmem>>
        %dma_start3A_36 = tpu.memref_squeeze %dma_start3A_35 : memref<1x128xi32, #tpu.memory_space<vmem>> -> memref<128xi32, #tpu.memory_space<vmem>>
        %dma_start3A_37 = arith.constant 0 : i32
        %dma_start3A_38 = arith.constant 0 : i32
        %dma_start3A_39 = tpu.memref_slice %arg2[%dma_start3A_37, %dma_start3A_38] : memref<10000x128xf32, #tpu.memory_space<hbm>> -> memref<10000x128xf32, #tpu.memory_space<hbm>>
        tpu.enqueue_indirect_dma source(%dma_start3A_39 : memref<10000x128xf32, #tpu.memory_space<hbm>>) target(%arg11 : memref<128x128xf32, #tpu.memory_space<vmem>>) offsets(%dma_start3A_36 : memref<128xi32, #tpu.memory_space<vmem>>) semaphore(%arg12 : memref<!tpu.dma_semaphore, #tpu.memory_space<semaphore_mem>>)
        %dma_wait3A = arith.constant 0 : i32
        %dma_wait3A_40 = tpu.memref_slice %arg9[%scan3A_24, %dma_wait3A] : memref<79x128xi32, #tpu.memory_space<vmem>> -> memref<1x128xi32, #tpu.memory_space<vmem>>
        %dma_wait3A_41 = tpu.memref_squeeze %dma_wait3A_40 : memref<1x128xi32, #tpu.memory_space<vmem>> -> memref<128xi32, #tpu.memory_space<vmem>>
        %dma_wait3A_42 = arith.constant 0 : i32
        %dma_wait3A_43 = arith.constant 0 : i32
        %dma_wait3A_44 = tpu.memref_slice %arg2[%dma_wait3A_42, %dma_wait3A_43] : memref<10000x128xf32, #tpu.memory_space<hbm>> -> memref<10000x128xf32, #tpu.memory_space<hbm>>
        tpu.wait_indirect_dma semaphore(%arg12 : memref<!tpu.dma_semaphore, #tpu.memory_space<semaphore_mem>>) src(%dma_wait3A_44 : memref<10000x128xf32, #tpu.memory_space<hbm>>) dst(%arg11 : memref<128x128xf32, #tpu.memory_space<vmem>>)
      } else {
      }
      %eq3A_30 = arith.constant 1 : i32
      %eq3A_31 = arith.cmpi eq, %arg0, %eq3A_30 : i32
      %convert_element_type3A_32 = arith.extui %eq3A_31 : i1 to i32
      %cond3A_33 = arith.constant 0 : i32
      %cond3A_34 = arith.cmpi ne, %convert_element_type3A_32, %cond3A_33 : i32
      scf.if %cond3A_34 {
        %dma_start3A = arith.constant 0 : i32
        %dma_start3A_35 = tpu.memref_slice %arg9[%scan3A_24, %dma_start3A] : memref<79x128xi32, #tpu.memory_space<vmem>> -> memref<1x128xi32, #tpu.memory_space<vmem>>
        %dma_start3A_36 = tpu.memref_squeeze %dma_start3A_35 : memref<1x128xi32, #tpu.memory_space<vmem>> -> memref<128xi32, #tpu.memory_space<vmem>>
        %dma_start3A_37 = arith.constant 0 : i32
        %dma_start3A_38 = arith.constant 0 : i32
        %dma_start3A_39 = tpu.memref_slice %arg3[%dma_start3A_37, %dma_start3A_38] : memref<10000x128xf32, #tpu.memory_space<hbm>> -> memref<10000x128xf32, #tpu.memory_space<hbm>>
        tpu.enqueue_indirect_dma source(%dma_start3A_39 : memref<10000x128xf32, #tpu.memory_space<hbm>>) target(%arg11 : memref<128x128xf32, #tpu.memory_space<vmem>>) offsets(%dma_start3A_36 : memref<128xi32, #tpu.memory_space<vmem>>) semaphore(%arg12 : memref<!tpu.dma_semaphore, #tpu.memory_space<semaphore_mem>>)
        %dma_wait3A = arith.constant 0 : i32
        %dma_wait3A_40 = tpu.memref_slice %arg9[%scan3A_24, %dma_wait3A] : memref<79x128xi32, #tpu.memory_space<vmem>> -> memref<1x128xi32, #tpu.memory_space<vmem>>
        %dma_wait3A_41 = tpu.memref_squeeze %dma_wait3A_40 : memref<1x128xi32, #tpu.memory_space<vmem>> -> memref<128xi32, #tpu.memory_space<vmem>>
        %dma_wait3A_42 = arith.constant 0 : i32
        %dma_wait3A_43 = arith.constant 0 : i32
        %dma_wait3A_44 = tpu.memref_slice %arg3[%dma_wait3A_42, %dma_wait3A_43] : memref<10000x128xf32, #tpu.memory_space<hbm>> -> memref<10000x128xf32, #tpu.memory_space<hbm>>
        tpu.wait_indirect_dma semaphore(%arg12 : memref<!tpu.dma_semaphore, #tpu.memory_space<semaphore_mem>>) src(%dma_wait3A_44 : memref<10000x128xf32, #tpu.memory_space<hbm>>) dst(%arg11 : memref<128x128xf32, #tpu.memory_space<vmem>>)
      } else {
      }
      "tpu.region"() ({
        %run_scoped3A = tpu.sem_alloc : memref<!tpu.dma_semaphore, #tpu.memory_space<semaphore_mem>>
        %dma_start3A = arith.constant 0 : i32
        %dma_start3A_35 = tpu.memref_slice %arg10[%scan3A_24, %dma_start3A] : memref<79x128xi32, #tpu.memory_space<vmem>> -> memref<1x128xi32, #tpu.memory_space<vmem>>
        %dma_start3A_36 = tpu.memref_squeeze %dma_start3A_35 : memref<1x128xi32, #tpu.memory_space<vmem>> -> memref<128xi32, #tpu.memory_space<vmem>>
        %dma_start3A_37 = arith.constant 0 : i32
        %dma_start3A_38 = arith.constant 0 : i32
        %dma_start3A_39 = tpu.memref_slice %arg8[%dma_start3A_37, %dma_start3A_38] : memref<10016x128xf32, #tpu.memory_space<vmem_shared>> -> memref<10016x128xf32, #tpu.memory_space<vmem_shared>>
        tpu.enqueue_indirect_dma source(%arg11 : memref<128x128xf32, #tpu.memory_space<vmem>>) target(%dma_start3A_39 : memref<10016x128xf32, #tpu.memory_space<vmem_shared>>) offsets(%dma_start3A_36 : memref<128xi32, #tpu.memory_space<vmem>>) semaphore(%run_scoped3A : memref<!tpu.dma_semaphore, #tpu.memory_space<semaphore_mem>>) {add = true}
        %dma_wait3A = arith.constant 0 : i32
        %dma_wait3A_40 = tpu.memref_slice %arg10[%scan3A_24, %dma_wait3A] : memref<79x128xi32, #tpu.memory_space<vmem>> -> memref<1x128xi32, #tpu.memory_space<vmem>>
        %dma_wait3A_41 = tpu.memref_squeeze %dma_wait3A_40 : memref<1x128xi32, #tpu.memory_space<vmem>> -> memref<128xi32, #tpu.memory_space<vmem>>
        %dma_wait3A_42 = arith.constant 0 : i32
        %dma_wait3A_43 = arith.constant 0 : i32
        %dma_wait3A_44 = tpu.memref_slice %arg8[%dma_wait3A_42, %dma_wait3A_43] : memref<10016x128xf32, #tpu.memory_space<vmem_shared>> -> memref<10016x128xf32, #tpu.memory_space<vmem_shared>>
        tpu.wait_indirect_dma semaphore(%run_scoped3A : memref<!tpu.dma_semaphore, #tpu.memory_space<semaphore_mem>>) src(%arg11 : memref<128x128xf32, #tpu.memory_space<vmem>>) dst(%dma_wait3A_44 : memref<10016x128xf32, #tpu.memory_space<vmem_shared>>)
        tpu.yield
      }) : () -> ()
    }
    %scan3A_12 = arith.constant 79 : i32
    %barrier3A_13 = arith.constant 0 : index
    tpu.barrier barrier_id(%barrier3A_13)
    %eq3A_14 = arith.constant 0 : i32
    %eq3A_15 = arith.cmpi eq, %arg0, %eq3A_14 : i32
    %convert_element_type3A_16 = arith.extui %eq3A_15 : i1 to i32
    %cond3A_17 = arith.constant 0 : i32
    %cond3A_18 = arith.cmpi ne, %convert_element_type3A_16, %cond3A_17 : i32
    scf.if %cond3A_18 {
      %lt3A = arith.constant 15 : i32
      %lt3A_24 = arith.cmpi slt, %arg1, %lt3A : i32
      %convert_element_type3A_25 = arith.extui %lt3A_24 : i1 to i32
      %cond3A_26 = arith.constant 0 : i32
      %cond3A_27 = arith.cmpi ne, %convert_element_type3A_25, %cond3A_26 : i32
      scf.if %cond3A_27 {
        "tpu.region"() ({
          %run_scoped3A = tpu.sem_alloc : memref<!tpu.dma_semaphore, #tpu.memory_space<semaphore_mem>>
          %dma_start3A = arith.constant 0 : i32
          %dma_start3A_33 = tpu.memref_slice %arg6[%mul3A_0, %dma_start3A] : memref<10000x128xf32, #tpu.memory_space<hbm>> -> memref<624x128xf32, #tpu.memory_space<hbm>>
          %dma_start3A_34 = arith.constant 0 : i32
          %dma_start3A_35 = tpu.memref_slice %arg8[%mul3A_0, %dma_start3A_34] : memref<10016x128xf32, #tpu.memory_space<vmem_shared>> -> memref<624x128xf32, #tpu.memory_space<vmem_shared>>
          tpu.enqueue_dma source(%dma_start3A_35 : memref<624x128xf32, #tpu.memory_space<vmem_shared>>) target(%dma_start3A_33 : memref<624x128xf32, #tpu.memory_space<hbm>>) target_semaphore(%run_scoped3A : memref<!tpu.dma_semaphore, #tpu.memory_space<semaphore_mem>>)
          %dma_wait3A = arith.constant 0 : i32
          %dma_wait3A_36 = tpu.memref_slice %arg6[%mul3A_0, %dma_wait3A] : memref<10000x128xf32, #tpu.memory_space<hbm>> -> memref<624x128xf32, #tpu.memory_space<hbm>>
          %dma_wait3A_37 = arith.constant 0 : i32
          %dma_wait3A_38 = tpu.memref_slice %arg8[%mul3A_0, %dma_wait3A_37] : memref<10016x128xf32, #tpu.memory_space<vmem_shared>> -> memref<624x128xf32, #tpu.memory_space<vmem_shared>>
          tpu.wait_dma2 semaphore(%run_scoped3A : memref<!tpu.dma_semaphore, #tpu.memory_space<semaphore_mem>>) src(%dma_wait3A_38 : memref<624x128xf32, #tpu.memory_space<vmem_shared>>) dst(%dma_wait3A_36 : memref<624x128xf32, #tpu.memory_space<hbm>>)
          tpu.yield
        }) : () -> ()
      } else {
      }
      %eq3A_28 = arith.constant 15 : i32
      %eq3A_29 = arith.cmpi eq, %arg1, %eq3A_28 : i32
      %convert_element_type3A_30 = arith.extui %eq3A_29 : i1 to i32
      %cond3A_31 = arith.constant 0 : i32
      %cond3A_32 = arith.cmpi ne, %convert_element_type3A_30, %cond3A_31 : i32
      scf.if %cond3A_32 {
        "tpu.region"() ({
          %run_scoped3A = tpu.sem_alloc : memref<!tpu.dma_semaphore, #tpu.memory_space<semaphore_mem>>
          %dma_start3A = arith.constant 9360 : i32
          %dma_start3A_33 = arith.constant 0 : i32
          %dma_start3A_34 = tpu.memref_slice %arg6[%dma_start3A, %dma_start3A_33] : memref<10000x128xf32, #tpu.memory_space<hbm>> -> memref<640x128xf32, #tpu.memory_space<hbm>>
          %dma_start3A_35 = arith.constant 9360 : i32
          %dma_start3A_36 = arith.constant 0 : i32
          %dma_start3A_37 = tpu.memref_slice %arg8[%dma_start3A_35, %dma_start3A_36] : memref<10016x128xf32, #tpu.memory_space<vmem_shared>> -> memref<640x128xf32, #tpu.memory_space<vmem_shared>>
          tpu.enqueue_dma source(%dma_start3A_37 : memref<640x128xf32, #tpu.memory_space<vmem_shared>>) target(%dma_start3A_34 : memref<640x128xf32, #tpu.memory_space<hbm>>) target_semaphore(%run_scoped3A : memref<!tpu.dma_semaphore, #tpu.memory_space<semaphore_mem>>)
          %dma_wait3A = arith.constant 9360 : i32
          %dma_wait3A_38 = arith.constant 0 : i32
          %dma_wait3A_39 = tpu.memref_slice %arg6[%dma_wait3A, %dma_wait3A_38] : memref<10000x128xf32, #tpu.memory_space<hbm>> -> memref<640x128xf32, #tpu.memory_space<hbm>>
          %dma_wait3A_40 = arith.constant 9360 : i32
          %dma_wait3A_41 = arith.constant 0 : i32
          %dma_wait3A_42 = tpu.memref_slice %arg8[%dma_wait3A_40, %dma_wait3A_41] : memref<10016x128xf32, #tpu.memory_space<vmem_shared>> -> memref<640x128xf32, #tpu.memory_space<vmem_shared>>
          tpu.wait_dma2 semaphore(%run_scoped3A : memref<!tpu.dma_semaphore, #tpu.memory_space<semaphore_mem>>) src(%dma_wait3A_42 : memref<640x128xf32, #tpu.memory_space<vmem_shared>>) dst(%dma_wait3A_39 : memref<640x128xf32, #tpu.memory_space<hbm>>)
          tpu.yield
        }) : () -> ()
      } else {
      }
    } else {
    }
    %eq3A_19 = arith.constant 1 : i32
    %eq3A_20 = arith.cmpi eq, %arg0, %eq3A_19 : i32
    %convert_element_type3A_21 = arith.extui %eq3A_20 : i1 to i32
    %cond3A_22 = arith.constant 0 : i32
    %cond3A_23 = arith.cmpi ne, %convert_element_type3A_21, %cond3A_22 : i32
    scf.if %cond3A_23 {
      %lt3A = arith.constant 15 : i32
      %lt3A_24 = arith.cmpi slt, %arg1, %lt3A : i32
      %convert_element_type3A_25 = arith.extui %lt3A_24 : i1 to i32
      %cond3A_26 = arith.constant 0 : i32
      %cond3A_27 = arith.cmpi ne, %convert_element_type3A_25, %cond3A_26 : i32
      scf.if %cond3A_27 {
        "tpu.region"() ({
          %run_scoped3A = tpu.sem_alloc : memref<!tpu.dma_semaphore, #tpu.memory_space<semaphore_mem>>
          %dma_start3A = arith.constant 0 : i32
          %dma_start3A_33 = tpu.memref_slice %arg7[%mul3A_0, %dma_start3A] : memref<10000x128xf32, #tpu.memory_space<hbm>> -> memref<624x128xf32, #tpu.memory_space<hbm>>
          %dma_start3A_34 = arith.constant 0 : i32
          %dma_start3A_35 = tpu.memref_slice %arg8[%mul3A_0, %dma_start3A_34] : memref<10016x128xf32, #tpu.memory_space<vmem_shared>> -> memref<624x128xf32, #tpu.memory_space<vmem_shared>>
          tpu.enqueue_dma source(%dma_start3A_35 : memref<624x128xf32, #tpu.memory_space<vmem_shared>>) target(%dma_start3A_33 : memref<624x128xf32, #tpu.memory_space<hbm>>) target_semaphore(%run_scoped3A : memref<!tpu.dma_semaphore, #tpu.memory_space<semaphore_mem>>)
          %dma_wait3A = arith.constant 0 : i32
          %dma_wait3A_36 = tpu.memref_slice %arg7[%mul3A_0, %dma_wait3A] : memref<10000x128xf32, #tpu.memory_space<hbm>> -> memref<624x128xf32, #tpu.memory_space<hbm>>
          %dma_wait3A_37 = arith.constant 0 : i32
          %dma_wait3A_38 = tpu.memref_slice %arg8[%mul3A_0, %dma_wait3A_37] : memref<10016x128xf32, #tpu.memory_space<vmem_shared>> -> memref<624x128xf32, #tpu.memory_space<vmem_shared>>
          tpu.wait_dma2 semaphore(%run_scoped3A : memref<!tpu.dma_semaphore, #tpu.memory_space<semaphore_mem>>) src(%dma_wait3A_38 : memref<624x128xf32, #tpu.memory_space<vmem_shared>>) dst(%dma_wait3A_36 : memref<624x128xf32, #tpu.memory_space<hbm>>)
          tpu.yield
        }) : () -> ()
      } else {
      }
      %eq3A_28 = arith.constant 15 : i32
      %eq3A_29 = arith.cmpi eq, %arg1, %eq3A_28 : i32
      %convert_element_type3A_30 = arith.extui %eq3A_29 : i1 to i32
      %cond3A_31 = arith.constant 0 : i32
      %cond3A_32 = arith.cmpi ne, %convert_element_type3A_30, %cond3A_31 : i32
      scf.if %cond3A_32 {
        "tpu.region"() ({
          %run_scoped3A = tpu.sem_alloc : memref<!tpu.dma_semaphore, #tpu.memory_space<semaphore_mem>>
          %dma_start3A = arith.constant 9360 : i32
          %dma_start3A_33 = arith.constant 0 : i32
          %dma_start3A_34 = tpu.memref_slice %arg7[%dma_start3A, %dma_start3A_33] : memref<10000x128xf32, #tpu.memory_space<hbm>> -> memref<640x128xf32, #tpu.memory_space<hbm>>
          %dma_start3A_35 = arith.constant 9360 : i32
          %dma_start3A_36 = arith.constant 0 : i32
          %dma_start3A_37 = tpu.memref_slice %arg8[%dma_start3A_35, %dma_start3A_36] : memref<10016x128xf32, #tpu.memory_space<vmem_shared>> -> memref<640x128xf32, #tpu.memory_space<vmem_shared>>
          tpu.enqueue_dma source(%dma_start3A_37 : memref<640x128xf32, #tpu.memory_space<vmem_shared>>) target(%dma_start3A_34 : memref<640x128xf32, #tpu.memory_space<hbm>>) target_semaphore(%run_scoped3A : memref<!tpu.dma_semaphore, #tpu.memory_space<semaphore_mem>>)
          %dma_wait3A = arith.constant 9360 : i32
          %dma_wait3A_38 = arith.constant 0 : i32
          %dma_wait3A_39 = tpu.memref_slice %arg7[%dma_wait3A, %dma_wait3A_38] : memref<10000x128xf32, #tpu.memory_space<hbm>> -> memref<640x128xf32, #tpu.memory_space<hbm>>
          %dma_wait3A_40 = arith.constant 9360 : i32
          %dma_wait3A_41 = arith.constant 0 : i32
          %dma_wait3A_42 = tpu.memref_slice %arg8[%dma_wait3A_40, %dma_wait3A_41] : memref<10016x128xf32, #tpu.memory_space<vmem_shared>> -> memref<640x128xf32, #tpu.memory_space<vmem_shared>>
          tpu.wait_dma2 semaphore(%run_scoped3A : memref<!tpu.dma_semaphore, #tpu.memory_space<semaphore_mem>>) src(%dma_wait3A_42 : memref<640x128xf32, #tpu.memory_space<vmem_shared>>) dst(%dma_wait3A_39 : memref<640x128xf32, #tpu.memory_space<hbm>>)
          tpu.yield
        }) : () -> ()
      } else {
      }
    } else {
    }
    return
  }
}

#map = affine_map<(d0, d1) -> (0, 0)>
#map1 = affine_map<(d0, d1) -> (0, 0, 0)>
module attributes {stable_mosaic.version = 14 : i64} {
  func.func @_segsum_body(%arg0: i32, %arg1: i32, %arg2: memref<10000x128xf32, #tpu.memory_space<hbm>>, %arg3: memref<10000x128xf32, #tpu.memory_space<hbm>>, %arg4: memref<16x79x128xi32, #tpu.memory_space<hbm>>, %arg5: memref<16x79x128xi32, #tpu.memory_space<hbm>>, %arg6: memref<10000x128xf32, #tpu.memory_space<hbm>>, %arg7: memref<10000x128xf32, #tpu.memory_space<hbm>>, %arg8: memref<10016x128xf32, #tpu.memory_space<vmem_shared>>, %arg9: memref<79x128xi32, #tpu.memory_space<vmem>>, %arg10: memref<79x128xi32, #tpu.memory_space<vmem>>, %arg11: memref<128x128xf32, #tpu.memory_space<vmem>>, %arg12: memref<!tpu.dma_semaphore, #tpu.memory_space<semaphore_mem>>) attributes {dimension_semantics = [#tpu.dimension_semantics<core_parallel>, #tpu.dimension_semantics<subcore_parallel>], iteration_bounds = array<i64: 2, 16>, scalar_prefetch = 0 : i64, scratch_operands = 5 : i64, tpu.core_type = #tpu.core_type<sc_vector_subcore>, window_params = [{transform_indices = #map}, {transform_indices = #map}, {transform_indices = #map1}, {transform_indices = #map1}, {transform_indices = #map}, {transform_indices = #map}]} {
    %mul3A = arith.constant 624 : i32
    %mul3A_0 = arith.muli %arg1, %mul3A : i32
    "tpu.region"() ({
      %run_scoped3A = tpu.sem_alloc : memref<!tpu.dma_semaphore, #tpu.memory_space<semaphore_mem>>
      %dma_start3A = arith.constant 0 : i32
      %dma_start3A_24 = arith.constant 0 : i32
      %dma_start3A_25 = tpu.memref_slice %arg4[%arg1, %dma_start3A, %dma_start3A_24] : memref<16x79x128xi32, #tpu.memory_space<hbm>> -> memref<1x79x128xi32, #tpu.memory_space<hbm>>
      %dma_start3A_26 = tpu.memref_squeeze %dma_start3A_25 : memref<1x79x128xi32, #tpu.memory_space<hbm>> -> memref<79x128xi32, #tpu.memory_space<hbm>>
      %dma_start3A_27 = arith.constant 0 : i32
      %dma_start3A_28 = arith.constant 0 : i32
      %dma_start3A_29 = tpu.memref_slice %arg4[%arg1, %dma_start3A_27, %dma_start3A_28] : memref<16x79x128xi32, #tpu.memory_space<hbm>> -> memref<1x79x128xi32, #tpu.memory_space<hbm>>
      %dma_start3A_30 = tpu.memref_squeeze %dma_start3A_29 : memref<1x79x128xi32, #tpu.memory_space<hbm>> -> memref<79x128xi32, #tpu.memory_space<hbm>>
      tpu.enqueue_dma source(%dma_start3A_30 : memref<79x128xi32, #tpu.memory_space<hbm>>) target(%arg9 : memref<79x128xi32, #tpu.memory_space<vmem>>) target_semaphore(%run_scoped3A : memref<!tpu.dma_semaphore, #tpu.memory_space<semaphore_mem>>)
      %dma_wait3A = arith.constant 0 : i32
      %dma_wait3A_31 = arith.constant 0 : i32
      %dma_wait3A_32 = tpu.memref_slice %arg4[%arg1, %dma_wait3A, %dma_wait3A_31] : memref<16x79x128xi32, #tpu.memory_space<hbm>> -> memref<1x79x128xi32, #tpu.memory_space<hbm>>
      %dma_wait3A_33 = tpu.memref_squeeze %dma_wait3A_32 : memref<1x79x128xi32, #tpu.memory_space<hbm>> -> memref<79x128xi32, #tpu.memory_space<hbm>>
      %dma_wait3A_34 = arith.constant 0 : i32
      %dma_wait3A_35 = arith.constant 0 : i32
      %dma_wait3A_36 = tpu.memref_slice %arg4[%arg1, %dma_wait3A_34, %dma_wait3A_35] : memref<16x79x128xi32, #tpu.memory_space<hbm>> -> memref<1x79x128xi32, #tpu.memory_space<hbm>>
      %dma_wait3A_37 = tpu.memref_squeeze %dma_wait3A_36 : memref<1x79x128xi32, #tpu.memory_space<hbm>> -> memref<79x128xi32, #tpu.memory_space<hbm>>
      tpu.wait_dma2 semaphore(%run_scoped3A : memref<!tpu.dma_semaphore, #tpu.memory_space<semaphore_mem>>) src(%dma_wait3A_37 : memref<79x128xi32, #tpu.memory_space<hbm>>) dst(%arg9 : memref<79x128xi32, #tpu.memory_space<vmem>>)
      tpu.yield
    }) : () -> ()
    "tpu.region"() ({
      %run_scoped3A = tpu.sem_alloc : memref<!tpu.dma_semaphore, #tpu.memory_space<semaphore_mem>>
      %dma_start3A = arith.constant 0 : i32
      %dma_start3A_24 = arith.constant 0 : i32
      %dma_start3A_25 = tpu.memref_slice %arg5[%arg1, %dma_start3A, %dma_start3A_24] : memref<16x79x128xi32, #tpu.memory_space<hbm>> -> memref<1x79x128xi32, #tpu.memory_space<hbm>>
      %dma_start3A_26 = tpu.memref_squeeze %dma_start3A_25 : memref<1x79x128xi32, #tpu.memory_space<hbm>> -> memref<79x128xi32, #tpu.memory_space<hbm>>
      %dma_start3A_27 = arith.constant 0 : i32
      %dma_start3A_28 = arith.constant 0 : i32
      %dma_start3A_29 = tpu.memref_slice %arg5[%arg1, %dma_start3A_27, %dma_start3A_28] : memref<16x79x128xi32, #tpu.memory_space<hbm>> -> memref<1x79x128xi32, #tpu.memory_space<hbm>>
      %dma_start3A_30 = tpu.memref_squeeze %dma_start3A_29 : memref<1x79x128xi32, #tpu.memory_space<hbm>> -> memref<79x128xi32, #tpu.memory_space<hbm>>
      tpu.enqueue_dma source(%dma_start3A_30 : memref<79x128xi32, #tpu.memory_space<hbm>>) target(%arg10 : memref<79x128xi32, #tpu.memory_space<vmem>>) target_semaphore(%run_scoped3A : memref<!tpu.dma_semaphore, #tpu.memory_space<semaphore_mem>>)
      %dma_wait3A = arith.constant 0 : i32
      %dma_wait3A_31 = arith.constant 0 : i32
      %dma_wait3A_32 = tpu.memref_slice %arg5[%arg1, %dma_wait3A, %dma_wait3A_31] : memref<16x79x128xi32, #tpu.memory_space<hbm>> -> memref<1x79x128xi32, #tpu.memory_space<hbm>>
      %dma_wait3A_33 = tpu.memref_squeeze %dma_wait3A_32 : memref<1x79x128xi32, #tpu.memory_space<hbm>> -> memref<79x128xi32, #tpu.memory_space<hbm>>
      %dma_wait3A_34 = arith.constant 0 : i32
      %dma_wait3A_35 = arith.constant 0 : i32
      %dma_wait3A_36 = tpu.memref_slice %arg5[%arg1, %dma_wait3A_34, %dma_wait3A_35] : memref<16x79x128xi32, #tpu.memory_space<hbm>> -> memref<1x79x128xi32, #tpu.memory_space<hbm>>
      %dma_wait3A_37 = tpu.memref_squeeze %dma_wait3A_36 : memref<1x79x128xi32, #tpu.memory_space<hbm>> -> memref<79x128xi32, #tpu.memory_space<hbm>>
      tpu.wait_dma2 semaphore(%run_scoped3A : memref<!tpu.dma_semaphore, #tpu.memory_space<semaphore_mem>>) src(%dma_wait3A_37 : memref<79x128xi32, #tpu.memory_space<hbm>>) dst(%arg10 : memref<79x128xi32, #tpu.memory_space<vmem>>)
      tpu.yield
    }) : () -> ()
    %eq3A = arith.constant 0 : i32
    %eq3A_1 = arith.cmpi eq, %arg0, %eq3A : i32
    %convert_element_type3A = arith.extui %eq3A_1 : i1 to i32
    %cond3A = arith.constant 0 : i32
    %cond3A_2 = arith.cmpi ne, %convert_element_type3A, %cond3A : i32
    scf.if %cond3A_2 {
      %lt3A = arith.constant 15 : i32
      %lt3A_24 = arith.cmpi slt, %arg1, %lt3A : i32
      %convert_element_type3A_25 = arith.extui %lt3A_24 : i1 to i32
      %cond3A_26 = arith.constant 0 : i32
      %cond3A_27 = arith.cmpi ne, %convert_element_type3A_25, %cond3A_26 : i32
      scf.if %cond3A_27 {
        "tpu.region"() ({
          %run_scoped3A = tpu.sem_alloc : memref<!tpu.dma_semaphore, #tpu.memory_space<semaphore_mem>>
          %dma_start3A = arith.constant 0 : i32
          %dma_start3A_33 = tpu.memref_slice %arg8[%mul3A_0, %dma_start3A] : memref<10016x128xf32, #tpu.memory_space<vmem_shared>> -> memref<624x128xf32, #tpu.memory_space<vmem_shared>>
          %dma_start3A_34 = arith.constant 0 : i32
          %dma_start3A_35 = tpu.memref_slice %arg2[%mul3A_0, %dma_start3A_34] : memref<10000x128xf32, #tpu.memory_space<hbm>> -> memref<624x128xf32, #tpu.memory_space<hbm>>
          tpu.enqueue_dma source(%dma_start3A_35 : memref<624x128xf32, #tpu.memory_space<hbm>>) target(%dma_start3A_33 : memref<624x128xf32, #tpu.memory_space<vmem_shared>>) target_semaphore(%run_scoped3A : memref<!tpu.dma_semaphore, #tpu.memory_space<semaphore_mem>>)
          %dma_wait3A = arith.constant 0 : i32
          %dma_wait3A_36 = tpu.memref_slice %arg8[%mul3A_0, %dma_wait3A] : memref<10016x128xf32, #tpu.memory_space<vmem_shared>> -> memref<624x128xf32, #tpu.memory_space<vmem_shared>>
          %dma_wait3A_37 = arith.constant 0 : i32
          %dma_wait3A_38 = tpu.memref_slice %arg2[%mul3A_0, %dma_wait3A_37] : memref<10000x128xf32, #tpu.memory_space<hbm>> -> memref<624x128xf32, #tpu.memory_space<hbm>>
          tpu.wait_dma2 semaphore(%run_scoped3A : memref<!tpu.dma_semaphore, #tpu.memory_space<semaphore_mem>>) src(%dma_wait3A_38 : memref<624x128xf32, #tpu.memory_space<hbm>>) dst(%dma_wait3A_36 : memref<624x128xf32, #tpu.memory_space<vmem_shared>>)
          tpu.yield
        }) : () -> ()
      } else {
      }
      %eq3A_28 = arith.constant 15 : i32
      %eq3A_29 = arith.cmpi eq, %arg1, %eq3A_28 : i32
      %convert_element_type3A_30 = arith.extui %eq3A_29 : i1 to i32
      %cond3A_31 = arith.constant 0 : i32
      %cond3A_32 = arith.cmpi ne, %convert_element_type3A_30, %cond3A_31 : i32
      scf.if %cond3A_32 {
        "tpu.region"() ({
          %run_scoped3A = tpu.sem_alloc : memref<!tpu.dma_semaphore, #tpu.memory_space<semaphore_mem>>
          %dma_start3A = arith.constant 9360 : i32
          %dma_start3A_33 = arith.constant 0 : i32
          %dma_start3A_34 = tpu.memref_slice %arg8[%dma_start3A, %dma_start3A_33] : memref<10016x128xf32, #tpu.memory_space<vmem_shared>> -> memref<640x128xf32, #tpu.memory_space<vmem_shared>>
          %dma_start3A_35 = arith.constant 9360 : i32
          %dma_start3A_36 = arith.constant 0 : i32
          %dma_start3A_37 = tpu.memref_slice %arg2[%dma_start3A_35, %dma_start3A_36] : memref<10000x128xf32, #tpu.memory_space<hbm>> -> memref<640x128xf32, #tpu.memory_space<hbm>>
          tpu.enqueue_dma source(%dma_start3A_37 : memref<640x128xf32, #tpu.memory_space<hbm>>) target(%dma_start3A_34 : memref<640x128xf32, #tpu.memory_space<vmem_shared>>) target_semaphore(%run_scoped3A : memref<!tpu.dma_semaphore, #tpu.memory_space<semaphore_mem>>)
          %dma_wait3A = arith.constant 9360 : i32
          %dma_wait3A_38 = arith.constant 0 : i32
          %dma_wait3A_39 = tpu.memref_slice %arg8[%dma_wait3A, %dma_wait3A_38] : memref<10016x128xf32, #tpu.memory_space<vmem_shared>> -> memref<640x128xf32, #tpu.memory_space<vmem_shared>>
          %dma_wait3A_40 = arith.constant 9360 : i32
          %dma_wait3A_41 = arith.constant 0 : i32
          %dma_wait3A_42 = tpu.memref_slice %arg2[%dma_wait3A_40, %dma_wait3A_41] : memref<10000x128xf32, #tpu.memory_space<hbm>> -> memref<640x128xf32, #tpu.memory_space<hbm>>
          tpu.wait_dma2 semaphore(%run_scoped3A : memref<!tpu.dma_semaphore, #tpu.memory_space<semaphore_mem>>) src(%dma_wait3A_42 : memref<640x128xf32, #tpu.memory_space<hbm>>) dst(%dma_wait3A_39 : memref<640x128xf32, #tpu.memory_space<vmem_shared>>)
          tpu.yield
        }) : () -> ()
      } else {
      }
    } else {
    }
    %eq3A_3 = arith.constant 1 : i32
    %eq3A_4 = arith.cmpi eq, %arg0, %eq3A_3 : i32
    %convert_element_type3A_5 = arith.extui %eq3A_4 : i1 to i32
    %cond3A_6 = arith.constant 0 : i32
    %cond3A_7 = arith.cmpi ne, %convert_element_type3A_5, %cond3A_6 : i32
    scf.if %cond3A_7 {
      %lt3A = arith.constant 15 : i32
      %lt3A_24 = arith.cmpi slt, %arg1, %lt3A : i32
      %convert_element_type3A_25 = arith.extui %lt3A_24 : i1 to i32
      %cond3A_26 = arith.constant 0 : i32
      %cond3A_27 = arith.cmpi ne, %convert_element_type3A_25, %cond3A_26 : i32
      scf.if %cond3A_27 {
        "tpu.region"() ({
          %run_scoped3A = tpu.sem_alloc : memref<!tpu.dma_semaphore, #tpu.memory_space<semaphore_mem>>
          %dma_start3A = arith.constant 0 : i32
          %dma_start3A_33 = tpu.memref_slice %arg8[%mul3A_0, %dma_start3A] : memref<10016x128xf32, #tpu.memory_space<vmem_shared>> -> memref<624x128xf32, #tpu.memory_space<vmem_shared>>
          %dma_start3A_34 = arith.constant 0 : i32
          %dma_start3A_35 = tpu.memref_slice %arg3[%mul3A_0, %dma_start3A_34] : memref<10000x128xf32, #tpu.memory_space<hbm>> -> memref<624x128xf32, #tpu.memory_space<hbm>>
          tpu.enqueue_dma source(%dma_start3A_35 : memref<624x128xf32, #tpu.memory_space<hbm>>) target(%dma_start3A_33 : memref<624x128xf32, #tpu.memory_space<vmem_shared>>) target_semaphore(%run_scoped3A : memref<!tpu.dma_semaphore, #tpu.memory_space<semaphore_mem>>)
          %dma_wait3A = arith.constant 0 : i32
          %dma_wait3A_36 = tpu.memref_slice %arg8[%mul3A_0, %dma_wait3A] : memref<10016x128xf32, #tpu.memory_space<vmem_shared>> -> memref<624x128xf32, #tpu.memory_space<vmem_shared>>
          %dma_wait3A_37 = arith.constant 0 : i32
          %dma_wait3A_38 = tpu.memref_slice %arg3[%mul3A_0, %dma_wait3A_37] : memref<10000x128xf32, #tpu.memory_space<hbm>> -> memref<624x128xf32, #tpu.memory_space<hbm>>
          tpu.wait_dma2 semaphore(%run_scoped3A : memref<!tpu.dma_semaphore, #tpu.memory_space<semaphore_mem>>) src(%dma_wait3A_38 : memref<624x128xf32, #tpu.memory_space<hbm>>) dst(%dma_wait3A_36 : memref<624x128xf32, #tpu.memory_space<vmem_shared>>)
          tpu.yield
        }) : () -> ()
      } else {
      }
      %eq3A_28 = arith.constant 15 : i32
      %eq3A_29 = arith.cmpi eq, %arg1, %eq3A_28 : i32
      %convert_element_type3A_30 = arith.extui %eq3A_29 : i1 to i32
      %cond3A_31 = arith.constant 0 : i32
      %cond3A_32 = arith.cmpi ne, %convert_element_type3A_30, %cond3A_31 : i32
      scf.if %cond3A_32 {
        "tpu.region"() ({
          %run_scoped3A = tpu.sem_alloc : memref<!tpu.dma_semaphore, #tpu.memory_space<semaphore_mem>>
          %dma_start3A = arith.constant 9360 : i32
          %dma_start3A_33 = arith.constant 0 : i32
          %dma_start3A_34 = tpu.memref_slice %arg8[%dma_start3A, %dma_start3A_33] : memref<10016x128xf32, #tpu.memory_space<vmem_shared>> -> memref<640x128xf32, #tpu.memory_space<vmem_shared>>
          %dma_start3A_35 = arith.constant 9360 : i32
          %dma_start3A_36 = arith.constant 0 : i32
          %dma_start3A_37 = tpu.memref_slice %arg3[%dma_start3A_35, %dma_start3A_36] : memref<10000x128xf32, #tpu.memory_space<hbm>> -> memref<640x128xf32, #tpu.memory_space<hbm>>
          tpu.enqueue_dma source(%dma_start3A_37 : memref<640x128xf32, #tpu.memory_space<hbm>>) target(%dma_start3A_34 : memref<640x128xf32, #tpu.memory_space<vmem_shared>>) target_semaphore(%run_scoped3A : memref<!tpu.dma_semaphore, #tpu.memory_space<semaphore_mem>>)
          %dma_wait3A = arith.constant 9360 : i32
          %dma_wait3A_38 = arith.constant 0 : i32
          %dma_wait3A_39 = tpu.memref_slice %arg8[%dma_wait3A, %dma_wait3A_38] : memref<10016x128xf32, #tpu.memory_space<vmem_shared>> -> memref<640x128xf32, #tpu.memory_space<vmem_shared>>
          %dma_wait3A_40 = arith.constant 9360 : i32
          %dma_wait3A_41 = arith.constant 0 : i32
          %dma_wait3A_42 = tpu.memref_slice %arg3[%dma_wait3A_40, %dma_wait3A_41] : memref<10000x128xf32, #tpu.memory_space<hbm>> -> memref<640x128xf32, #tpu.memory_space<hbm>>
          tpu.wait_dma2 semaphore(%run_scoped3A : memref<!tpu.dma_semaphore, #tpu.memory_space<semaphore_mem>>) src(%dma_wait3A_42 : memref<640x128xf32, #tpu.memory_space<hbm>>) dst(%dma_wait3A_39 : memref<640x128xf32, #tpu.memory_space<vmem_shared>>)
          tpu.yield
        }) : () -> ()
      } else {
      }
    } else {
    }
    %barrier3A = arith.constant 0 : index
    tpu.barrier barrier_id(%barrier3A)
    %scan3A = arith.constant 0 : i32
    %scan3A_8 = arith.constant 0 : i32
    %scan3A_9 = arith.constant 79 : i32
    %scan3A_10 = arith.addi %scan3A_8, %scan3A_9 : i32
    %scan3A_11 = arith.constant 1 : i32
    scf.for %scan3A_24 = %scan3A_8 to %scan3A_10 step %scan3A_11  : i32 {
      %eq3A_25 = arith.constant 0 : i32
      %eq3A_26 = arith.cmpi eq, %arg0, %eq3A_25 : i32
      %convert_element_type3A_27 = arith.extui %eq3A_26 : i1 to i32
      %cond3A_28 = arith.constant 0 : i32
      %cond3A_29 = arith.cmpi ne, %convert_element_type3A_27, %cond3A_28 : i32
      scf.if %cond3A_29 {
        %dma_start3A = arith.constant 0 : i32
        %dma_start3A_35 = tpu.memref_slice %arg9[%scan3A_24, %dma_start3A] : memref<79x128xi32, #tpu.memory_space<vmem>> -> memref<1x128xi32, #tpu.memory_space<vmem>>
        %dma_start3A_36 = tpu.memref_squeeze %dma_start3A_35 : memref<1x128xi32, #tpu.memory_space<vmem>> -> memref<128xi32, #tpu.memory_space<vmem>>
        %dma_start3A_37 = arith.constant 0 : i32
        %dma_start3A_38 = arith.constant 0 : i32
        %dma_start3A_39 = tpu.memref_slice %arg2[%dma_start3A_37, %dma_start3A_38] : memref<10000x128xf32, #tpu.memory_space<hbm>> -> memref<10000x128xf32, #tpu.memory_space<hbm>>
        tpu.enqueue_indirect_dma source(%dma_start3A_39 : memref<10000x128xf32, #tpu.memory_space<hbm>>) target(%arg11 : memref<128x128xf32, #tpu.memory_space<vmem>>) offsets(%dma_start3A_36 : memref<128xi32, #tpu.memory_space<vmem>>) semaphore(%arg12 : memref<!tpu.dma_semaphore, #tpu.memory_space<semaphore_mem>>)
        %dma_wait3A = arith.constant 0 : i32
        %dma_wait3A_40 = tpu.memref_slice %arg9[%scan3A_24, %dma_wait3A] : memref<79x128xi32, #tpu.memory_space<vmem>> -> memref<1x128xi32, #tpu.memory_space<vmem>>
        %dma_wait3A_41 = tpu.memref_squeeze %dma_wait3A_40 : memref<1x128xi32, #tpu.memory_space<vmem>> -> memref<128xi32, #tpu.memory_space<vmem>>
        %dma_wait3A_42 = arith.constant 0 : i32
        %dma_wait3A_43 = arith.constant 0 : i32
        %dma_wait3A_44 = tpu.memref_slice %arg2[%dma_wait3A_42, %dma_wait3A_43] : memref<10000x128xf32, #tpu.memory_space<hbm>> -> memref<10000x128xf32, #tpu.memory_space<hbm>>
        tpu.wait_indirect_dma semaphore(%arg12 : memref<!tpu.dma_semaphore, #tpu.memory_space<semaphore_mem>>) src(%dma_wait3A_44 : memref<10000x128xf32, #tpu.memory_space<hbm>>) dst(%arg11 : memref<128x128xf32, #tpu.memory_space<vmem>>)
      } else {
      }
      %eq3A_30 = arith.constant 1 : i32
      %eq3A_31 = arith.cmpi eq, %arg0, %eq3A_30 : i32
      %convert_element_type3A_32 = arith.extui %eq3A_31 : i1 to i32
      %cond3A_33 = arith.constant 0 : i32
      %cond3A_34 = arith.cmpi ne, %convert_element_type3A_32, %cond3A_33 : i32
      scf.if %cond3A_34 {
        %dma_start3A = arith.constant 0 : i32
        %dma_start3A_35 = tpu.memref_slice %arg9[%scan3A_24, %dma_start3A] : memref<79x128xi32, #tpu.memory_space<vmem>> -> memref<1x128xi32, #tpu.memory_space<vmem>>
        %dma_start3A_36 = tpu.memref_squeeze %dma_start3A_35 : memref<1x128xi32, #tpu.memory_space<vmem>> -> memref<128xi32, #tpu.memory_space<vmem>>
        %dma_start3A_37 = arith.constant 0 : i32
        %dma_start3A_38 = arith.constant 0 : i32
        %dma_start3A_39 = tpu.memref_slice %arg3[%dma_start3A_37, %dma_start3A_38] : memref<10000x128xf32, #tpu.memory_space<hbm>> -> memref<10000x128xf32, #tpu.memory_space<hbm>>
        tpu.enqueue_indirect_dma source(%dma_start3A_39 : memref<10000x128xf32, #tpu.memory_space<hbm>>) target(%arg11 : memref<128x128xf32, #tpu.memory_space<vmem>>) offsets(%dma_start3A_36 : memref<128xi32, #tpu.memory_space<vmem>>) semaphore(%arg12 : memref<!tpu.dma_semaphore, #tpu.memory_space<semaphore_mem>>)
        %dma_wait3A = arith.constant 0 : i32
        %dma_wait3A_40 = tpu.memref_slice %arg9[%scan3A_24, %dma_wait3A] : memref<79x128xi32, #tpu.memory_space<vmem>> -> memref<1x128xi32, #tpu.memory_space<vmem>>
        %dma_wait3A_41 = tpu.memref_squeeze %dma_wait3A_40 : memref<1x128xi32, #tpu.memory_space<vmem>> -> memref<128xi32, #tpu.memory_space<vmem>>
        %dma_wait3A_42 = arith.constant 0 : i32
        %dma_wait3A_43 = arith.constant 0 : i32
        %dma_wait3A_44 = tpu.memref_slice %arg3[%dma_wait3A_42, %dma_wait3A_43] : memref<10000x128xf32, #tpu.memory_space<hbm>> -> memref<10000x128xf32, #tpu.memory_space<hbm>>
        tpu.wait_indirect_dma semaphore(%arg12 : memref<!tpu.dma_semaphore, #tpu.memory_space<semaphore_mem>>) src(%dma_wait3A_44 : memref<10000x128xf32, #tpu.memory_space<hbm>>) dst(%arg11 : memref<128x128xf32, #tpu.memory_space<vmem>>)
      } else {
      }
      "tpu.region"() ({
        %run_scoped3A = tpu.sem_alloc : memref<!tpu.dma_semaphore, #tpu.memory_space<semaphore_mem>>
        %dma_start3A = arith.constant 0 : i32
        %dma_start3A_35 = tpu.memref_slice %arg10[%scan3A_24, %dma_start3A] : memref<79x128xi32, #tpu.memory_space<vmem>> -> memref<1x128xi32, #tpu.memory_space<vmem>>
        %dma_start3A_36 = tpu.memref_squeeze %dma_start3A_35 : memref<1x128xi32, #tpu.memory_space<vmem>> -> memref<128xi32, #tpu.memory_space<vmem>>
        %dma_start3A_37 = arith.constant 0 : i32
        %dma_start3A_38 = arith.constant 0 : i32
        %dma_start3A_39 = tpu.memref_slice %arg8[%dma_start3A_37, %dma_start3A_38] : memref<10016x128xf32, #tpu.memory_space<vmem_shared>> -> memref<10016x128xf32, #tpu.memory_space<vmem_shared>>
        tpu.enqueue_indirect_dma source(%arg11 : memref<128x128xf32, #tpu.memory_space<vmem>>) target(%dma_start3A_39 : memref<10016x128xf32, #tpu.memory_space<vmem_shared>>) offsets(%dma_start3A_36 : memref<128xi32, #tpu.memory_space<vmem>>) semaphore(%run_scoped3A : memref<!tpu.dma_semaphore, #tpu.memory_space<semaphore_mem>>) {add = true}
        %dma_wait3A = arith.constant 0 : i32
        %dma_wait3A_40 = tpu.memref_slice %arg10[%scan3A_24, %dma_wait3A] : memref<79x128xi32, #tpu.memory_space<vmem>> -> memref<1x128xi32, #tpu.memory_space<vmem>>
        %dma_wait3A_41 = tpu.memref_squeeze %dma_wait3A_40 : memref<1x128xi32, #tpu.memory_space<vmem>> -> memref<128xi32, #tpu.memory_space<vmem>>
        %dma_wait3A_42 = arith.constant 0 : i32
        %dma_wait3A_43 = arith.constant 0 : i32
        %dma_wait3A_44 = tpu.memref_slice %arg8[%dma_wait3A_42, %dma_wait3A_43] : memref<10016x128xf32, #tpu.memory_space<vmem_shared>> -> memref<10016x128xf32, #tpu.memory_space<vmem_shared>>
        tpu.wait_indirect_dma semaphore(%run_scoped3A : memref<!tpu.dma_semaphore, #tpu.memory_space<semaphore_mem>>) src(%arg11 : memref<128x128xf32, #tpu.memory_space<vmem>>) dst(%dma_wait3A_44 : memref<10016x128xf32, #tpu.memory_space<vmem_shared>>)
        tpu.yield
      }) : () -> ()
    }
    %scan3A_12 = arith.constant 79 : i32
    %barrier3A_13 = arith.constant 0 : index
    tpu.barrier barrier_id(%barrier3A_13)
    %eq3A_14 = arith.constant 0 : i32
    %eq3A_15 = arith.cmpi eq, %arg0, %eq3A_14 : i32
    %convert_element_type3A_16 = arith.extui %eq3A_15 : i1 to i32
    %cond3A_17 = arith.constant 0 : i32
    %cond3A_18 = arith.cmpi ne, %convert_element_type3A_16, %cond3A_17 : i32
    scf.if %cond3A_18 {
      %lt3A = arith.constant 15 : i32
      %lt3A_24 = arith.cmpi slt, %arg1, %lt3A : i32
      %convert_element_type3A_25 = arith.extui %lt3A_24 : i1 to i32
      %cond3A_26 = arith.constant 0 : i32
      %cond3A_27 = arith.cmpi ne, %convert_element_type3A_25, %cond3A_26 : i32
      scf.if %cond3A_27 {
        "tpu.region"() ({
          %run_scoped3A = tpu.sem_alloc : memref<!tpu.dma_semaphore, #tpu.memory_space<semaphore_mem>>
          %dma_start3A = arith.constant 0 : i32
          %dma_start3A_33 = tpu.memref_slice %arg6[%mul3A_0, %dma_start3A] : memref<10000x128xf32, #tpu.memory_space<hbm>> -> memref<624x128xf32, #tpu.memory_space<hbm>>
          %dma_start3A_34 = arith.constant 0 : i32
          %dma_start3A_35 = tpu.memref_slice %arg8[%mul3A_0, %dma_start3A_34] : memref<10016x128xf32, #tpu.memory_space<vmem_shared>> -> memref<624x128xf32, #tpu.memory_space<vmem_shared>>
          tpu.enqueue_dma source(%dma_start3A_35 : memref<624x128xf32, #tpu.memory_space<vmem_shared>>) target(%dma_start3A_33 : memref<624x128xf32, #tpu.memory_space<hbm>>) target_semaphore(%run_scoped3A : memref<!tpu.dma_semaphore, #tpu.memory_space<semaphore_mem>>)
          %dma_wait3A = arith.constant 0 : i32
          %dma_wait3A_36 = tpu.memref_slice %arg6[%mul3A_0, %dma_wait3A] : memref<10000x128xf32, #tpu.memory_space<hbm>> -> memref<624x128xf32, #tpu.memory_space<hbm>>
          %dma_wait3A_37 = arith.constant 0 : i32
          %dma_wait3A_38 = tpu.memref_slice %arg8[%mul3A_0, %dma_wait3A_37] : memref<10016x128xf32, #tpu.memory_space<vmem_shared>> -> memref<624x128xf32, #tpu.memory_space<vmem_shared>>
          tpu.wait_dma2 semaphore(%run_scoped3A : memref<!tpu.dma_semaphore, #tpu.memory_space<semaphore_mem>>) src(%dma_wait3A_38 : memref<624x128xf32, #tpu.memory_space<vmem_shared>>) dst(%dma_wait3A_36 : memref<624x128xf32, #tpu.memory_space<hbm>>)
          tpu.yield
        }) : () -> ()
      } else {
      }
      %eq3A_28 = arith.constant 15 : i32
      %eq3A_29 = arith.cmpi eq, %arg1, %eq3A_28 : i32
      %convert_element_type3A_30 = arith.extui %eq3A_29 : i1 to i32
      %cond3A_31 = arith.constant 0 : i32
      %cond3A_32 = arith.cmpi ne, %convert_element_type3A_30, %cond3A_31 : i32
      scf.if %cond3A_32 {
        "tpu.region"() ({
          %run_scoped3A = tpu.sem_alloc : memref<!tpu.dma_semaphore, #tpu.memory_space<semaphore_mem>>
          %dma_start3A = arith.constant 9360 : i32
          %dma_start3A_33 = arith.constant 0 : i32
          %dma_start3A_34 = tpu.memref_slice %arg6[%dma_start3A, %dma_start3A_33] : memref<10000x128xf32, #tpu.memory_space<hbm>> -> memref<640x128xf32, #tpu.memory_space<hbm>>
          %dma_start3A_35 = arith.constant 9360 : i32
          %dma_start3A_36 = arith.constant 0 : i32
          %dma_start3A_37 = tpu.memref_slice %arg8[%dma_start3A_35, %dma_start3A_36] : memref<10016x128xf32, #tpu.memory_space<vmem_shared>> -> memref<640x128xf32, #tpu.memory_space<vmem_shared>>
          tpu.enqueue_dma source(%dma_start3A_37 : memref<640x128xf32, #tpu.memory_space<vmem_shared>>) target(%dma_start3A_34 : memref<640x128xf32, #tpu.memory_space<hbm>>) target_semaphore(%run_scoped3A : memref<!tpu.dma_semaphore, #tpu.memory_space<semaphore_mem>>)
          %dma_wait3A = arith.constant 9360 : i32
          %dma_wait3A_38 = arith.constant 0 : i32
          %dma_wait3A_39 = tpu.memref_slice %arg6[%dma_wait3A, %dma_wait3A_38] : memref<10000x128xf32, #tpu.memory_space<hbm>> -> memref<640x128xf32, #tpu.memory_space<hbm>>
          %dma_wait3A_40 = arith.constant 9360 : i32
          %dma_wait3A_41 = arith.constant 0 : i32
          %dma_wait3A_42 = tpu.memref_slice %arg8[%dma_wait3A_40, %dma_wait3A_41] : memref<10016x128xf32, #tpu.memory_space<vmem_shared>> -> memref<640x128xf32, #tpu.memory_space<vmem_shared>>
          tpu.wait_dma2 semaphore(%run_scoped3A : memref<!tpu.dma_semaphore, #tpu.memory_space<semaphore_mem>>) src(%dma_wait3A_42 : memref<640x128xf32, #tpu.memory_space<vmem_shared>>) dst(%dma_wait3A_39 : memref<640x128xf32, #tpu.memory_space<hbm>>)
          tpu.yield
        }) : () -> ()
      } else {
      }
    } else {
    }
    %eq3A_19 = arith.constant 1 : i32
    %eq3A_20 = arith.cmpi eq, %arg0, %eq3A_19 : i32
    %convert_element_type3A_21 = arith.extui %eq3A_20 : i1 to i32
    %cond3A_22 = arith.constant 0 : i32
    %cond3A_23 = arith.cmpi ne, %convert_element_type3A_21, %cond3A_22 : i32
    scf.if %cond3A_23 {
      %lt3A = arith.constant 15 : i32
      %lt3A_24 = arith.cmpi slt, %arg1, %lt3A : i32
      %convert_element_type3A_25 = arith.extui %lt3A_24 : i1 to i32
      %cond3A_26 = arith.constant 0 : i32
      %cond3A_27 = arith.cmpi ne, %convert_element_type3A_25, %cond3A_26 : i32
      scf.if %cond3A_27 {
        "tpu.region"() ({
          %run_scoped3A = tpu.sem_alloc : memref<!tpu.dma_semaphore, #tpu.memory_space<semaphore_mem>>
          %dma_start3A = arith.constant 0 : i32
          %dma_start3A_33 = tpu.memref_slice %arg7[%mul3A_0, %dma_start3A] : memref<10000x128xf32, #tpu.memory_space<hbm>> -> memref<624x128xf32, #tpu.memory_space<hbm>>
          %dma_start3A_34 = arith.constant 0 : i32
          %dma_start3A_35 = tpu.memref_slice %arg8[%mul3A_0, %dma_start3A_34] : memref<10016x128xf32, #tpu.memory_space<vmem_shared>> -> memref<624x128xf32, #tpu.memory_space<vmem_shared>>
          tpu.enqueue_dma source(%dma_start3A_35 : memref<624x128xf32, #tpu.memory_space<vmem_shared>>) target(%dma_start3A_33 : memref<624x128xf32, #tpu.memory_space<hbm>>) target_semaphore(%run_scoped3A : memref<!tpu.dma_semaphore, #tpu.memory_space<semaphore_mem>>)
          %dma_wait3A = arith.constant 0 : i32
          %dma_wait3A_36 = tpu.memref_slice %arg7[%mul3A_0, %dma_wait3A] : memref<10000x128xf32, #tpu.memory_space<hbm>> -> memref<624x128xf32, #tpu.memory_space<hbm>>
          %dma_wait3A_37 = arith.constant 0 : i32
          %dma_wait3A_38 = tpu.memref_slice %arg8[%mul3A_0, %dma_wait3A_37] : memref<10016x128xf32, #tpu.memory_space<vmem_shared>> -> memref<624x128xf32, #tpu.memory_space<vmem_shared>>
          tpu.wait_dma2 semaphore(%run_scoped3A : memref<!tpu.dma_semaphore, #tpu.memory_space<semaphore_mem>>) src(%dma_wait3A_38 : memref<624x128xf32, #tpu.memory_space<vmem_shared>>) dst(%dma_wait3A_36 : memref<624x128xf32, #tpu.memory_space<hbm>>)
          tpu.yield
        }) : () -> ()
      } else {
      }
      %eq3A_28 = arith.constant 15 : i32
      %eq3A_29 = arith.cmpi eq, %arg1, %eq3A_28 : i32
      %convert_element_type3A_30 = arith.extui %eq3A_29 : i1 to i32
      %cond3A_31 = arith.constant 0 : i32
      %cond3A_32 = arith.cmpi ne, %convert_element_type3A_30, %cond3A_31 : i32
      scf.if %cond3A_32 {
        "tpu.region"() ({
          %run_scoped3A = tpu.sem_alloc : memref<!tpu.dma_semaphore, #tpu.memory_space<semaphore_mem>>
          %dma_start3A = arith.constant 9360 : i32
          %dma_start3A_33 = arith.constant 0 : i32
          %dma_start3A_34 = tpu.memref_slice %arg7[%dma_start3A, %dma_start3A_33] : memref<10000x128xf32, #tpu.memory_space<hbm>> -> memref<640x128xf32, #tpu.memory_space<hbm>>
          %dma_start3A_35 = arith.constant 9360 : i32
          %dma_start3A_36 = arith.constant 0 : i32
          %dma_start3A_37 = tpu.memref_slice %arg8[%dma_start3A_35, %dma_start3A_36] : memref<10016x128xf32, #tpu.memory_space<vmem_shared>> -> memref<640x128xf32, #tpu.memory_space<vmem_shared>>
          tpu.enqueue_dma source(%dma_start3A_37 : memref<640x128xf32, #tpu.memory_space<vmem_shared>>) target(%dma_start3A_34 : memref<640x128xf32, #tpu.memory_space<hbm>>) target_semaphore(%run_scoped3A : memref<!tpu.dma_semaphore, #tpu.memory_space<semaphore_mem>>)
          %dma_wait3A = arith.constant 9360 : i32
          %dma_wait3A_38 = arith.constant 0 : i32
          %dma_wait3A_39 = tpu.memref_slice %arg7[%dma_wait3A, %dma_wait3A_38] : memref<10000x128xf32, #tpu.memory_space<hbm>> -> memref<640x128xf32, #tpu.memory_space<hbm>>
          %dma_wait3A_40 = arith.constant 9360 : i32
          %dma_wait3A_41 = arith.constant 0 : i32
          %dma_wait3A_42 = tpu.memref_slice %arg8[%dma_wait3A_40, %dma_wait3A_41] : memref<10016x128xf32, #tpu.memory_space<vmem_shared>> -> memref<640x128xf32, #tpu.memory_space<vmem_shared>>
          tpu.wait_dma2 semaphore(%run_scoped3A : memref<!tpu.dma_semaphore, #tpu.memory_space<semaphore_mem>>) src(%dma_wait3A_42 : memref<640x128xf32, #tpu.memory_space<vmem_shared>>) dst(%dma_wait3A_39 : memref<640x128xf32, #tpu.memory_space<hbm>>)
          tpu.yield
        }) : () -> ()
      } else {
      }
    } else {
    }
    return
  }
}

module attributes {stable_mosaic.version = 14 : i64} {
  func.func @_fc_body(%arg0: i32, %arg1: memref<1000x256xf32, #tpu.memory_space<vmem>>, %arg2: memref<256x256xf32, #tpu.memory_space<vmem>>, %arg3: memref<1x256xf32, #tpu.memory_space<vmem>>, %arg4: memref<1000x128xf32, #tpu.memory_space<vmem>>, %arg5: memref<1000x128xf32, #tpu.memory_space<vmem>>) attributes {dimension_semantics = [#tpu.dimension_semantics<arbitrary>], iteration_bounds = array<i64: 10>, scalar_prefetch = 0 : i64, scratch_operands = 0 : i64, tpu.core_type = #tpu.core_type<tc>, window_params = [{transform_indices = @transform_0, window_bounds = array<i64: 1000, 256>}, {pipeline_mode = #tpu.pipeline_mode<synchronous>, transform_indices = @transform_1, window_bounds = array<i64: 256, 256>}, {pipeline_mode = #tpu.pipeline_mode<synchronous>, transform_indices = @transform_2, window_bounds = array<i64: 1, 256>}, {transform_indices = @transform_3, window_bounds = array<i64: 1000, 128>}, {transform_indices = @transform_4, window_bounds = array<i64: 1000, 128>}]} {
    %get3A = arith.constant 0 : index
    %get3A_0 = arith.constant 0 : index
    %get3A_1 = vector.load %arg1[%get3A, %get3A_0] : memref<1000x256xf32, #tpu.memory_space<vmem>>, vector<1000x256xf32>
    %get3A_2 = arith.constant 0 : index
    %get3A_3 = arith.constant 0 : index
    %get3A_4 = vector.load %arg2[%get3A_2, %get3A_3] : memref<256x256xf32, #tpu.memory_space<vmem>>, vector<256x256xf32>
    %dot_general3A = arith.constant dense<0.000000e+00> : vector<1000x256xf32>
    %dot_general3A_5 = tpu.matmul %get3A_1, %get3A_4, %dot_general3A {dimension_numbers = #tpu.dot_dimension_numbers<[1], [0], [0], [1], [0, 0, 1, 1], [], []>, transpose_lhs_hint = false} : vector<1000x256xf32>, vector<256x256xf32>, vector<1000x256xf32> -> vector<1000x256xf32>
    %get3A_6 = arith.constant 0 : index
    %get3A_7 = arith.constant 0 : index
    %get3A_8 = vector.load %arg3[%get3A_6, %get3A_7] : memref<1x256xf32, #tpu.memory_space<vmem>>, vector<1x256xf32>
    %add3A = vector.broadcast %get3A_8 : vector<1x256xf32> to vector<1000x256xf32>
    %add3A_9 = arith.addf %dot_general3A_5, %add3A : vector<1000x256xf32>
    %slice3A = vector.extract_strided_slice %add3A_9 {offsets = [0, 0], sizes = [1000, 128], strides = [1, 1]} : vector<1000x256xf32> to vector<1000x128xf32>
    %swap3A = arith.constant 0 : index
    %swap3A_10 = arith.constant 0 : index
    %swap3A_11 = vector.load %arg4[%swap3A, %swap3A_10] : memref<1000x128xf32, #tpu.memory_space<vmem>>, vector<1000x128xf32>
    tpu.vector_store %arg4[%swap3A, %swap3A_10], %slice3A {strides = array<i32>} : memref<1000x128xf32, #tpu.memory_space<vmem>>, vector<1000x128xf32>,
    %slice3A_12 = vector.extract_strided_slice %add3A_9 {offsets = [0, 128], sizes = [1000, 128], strides = [1, 1]} : vector<1000x256xf32> to vector<1000x128xf32>
    %swap3A_13 = arith.constant 0 : index
    %swap3A_14 = arith.constant 0 : index
    %swap3A_15 = vector.load %arg5[%swap3A_13, %swap3A_14] : memref<1000x128xf32, #tpu.memory_space<vmem>>, vector<1000x128xf32>
    tpu.vector_store %arg5[%swap3A_13, %swap3A_14], %slice3A_12 {strides = array<i32>} : memref<1000x128xf32, #tpu.memory_space<vmem>>, vector<1000x128xf32>,
    return
  }
  func.func @transform_0(%arg0: i32) -> (i32, i32) {
    %c0_i32 = arith.constant 0 : i32
    %c0_i32_0 = arith.constant 0 : i32
    return %arg0, %c0_i32 : i32, i32
  }
  func.func @transform_1(%arg0: i32) -> (i32, i32) {
    %c0_i32 = arith.constant 0 : i32
    %c0_i32_0 = arith.constant 0 : i32
    %c0_i32_1 = arith.constant 0 : i32
    return %c0_i32, %c0_i32_0 : i32, i32
  }
  func.func @transform_2(%arg0: i32) -> (i32, i32) {
    %c0_i32 = arith.constant 0 : i32
    %c0_i32_0 = arith.constant 0 : i32
    %c0_i32_1 = arith.constant 0 : i32
    return %c0_i32, %c0_i32_0 : i32, i32
  }
  func.func @transform_3(%arg0: i32) -> (i32, i32) {
    %c0_i32 = arith.constant 0 : i32
    %c0_i32_0 = arith.constant 0 : i32
    return %arg0, %c0_i32 : i32, i32
  }
  func.func @transform_4(%arg0: i32) -> (i32, i32) {
    %c0_i32 = arith.constant 0 : i32
    %c0_i32_0 = arith.constant 0 : i32
    return %arg0, %c0_i32 : i32, i32
  }
}

module attributes {stable_mosaic.version = 14 : i64} {
  func.func @_mid_body(%arg0: i32, %arg1: memref<1000x128xf32, #tpu.memory_space<vmem>>, %arg2: memref<1000x128xf32, #tpu.memory_space<vmem>>, %arg3: memref<1000x128xf32, #tpu.memory_space<vmem>>, %arg4: memref<1000x128xf32, #tpu.memory_space<vmem>>, %arg5: memref<256x256xf32, #tpu.memory_space<vmem>>, %arg6: memref<1x256xf32, #tpu.memory_space<vmem>>, %arg7: memref<1000x128xf32, #tpu.memory_space<vmem>>, %arg8: memref<1000x128xf32, #tpu.memory_space<vmem>>) attributes {dimension_semantics = [#tpu.dimension_semantics<arbitrary>], iteration_bounds = array<i64: 10>, scalar_prefetch = 0 : i64, scratch_operands = 0 : i64, tpu.core_type = #tpu.core_type<tc>, window_params = [{transform_indices = @transform_0, window_bounds = array<i64: 1000, 128>}, {transform_indices = @transform_1, window_bounds = array<i64: 1000, 128>}, {transform_indices = @transform_2, window_bounds = array<i64: 1000, 128>}, {transform_indices = @transform_3, window_bounds = array<i64: 1000, 128>}, {pipeline_mode = #tpu.pipeline_mode<synchronous>, transform_indices = @transform_4, window_bounds = array<i64: 256, 256>}, {pipeline_mode = #tpu.pipeline_mode<synchronous>, transform_indices = @transform_5, window_bounds = array<i64: 1, 256>}, {transform_indices = @transform_6, window_bounds = array<i64: 1000, 128>}, {transform_indices = @transform_7, window_bounds = array<i64: 1000, 128>}]} {
    %get3A = arith.constant 0 : index
    %get3A_0 = arith.constant 0 : index
    %get3A_1 = vector.load %arg1[%get3A, %get3A_0] : memref<1000x128xf32, #tpu.memory_space<vmem>>, vector<1000x128xf32>
    %get3A_2 = arith.constant 0 : index
    %get3A_3 = arith.constant 0 : index
    %get3A_4 = vector.load %arg5[%get3A_2, %get3A_3] : memref<256x256xf32, #tpu.memory_space<vmem>>, vector<128x256xf32>
    %dot_general3A = arith.constant dense<0.000000e+00> : vector<1000x256xf32>
    %dot_general3A_5 = tpu.matmul %get3A_1, %get3A_4, %dot_general3A {dimension_numbers = #tpu.dot_dimension_numbers<[1], [0], [0], [1], [0, 0, 1, 1], [], []>, transpose_lhs_hint = false} : vector<1000x128xf32>, vector<128x256xf32>, vector<1000x256xf32> -> vector<1000x256xf32>
    %get3A_6 = arith.constant 0 : index
    %get3A_7 = arith.constant 0 : index
    %get3A_8 = vector.load %arg2[%get3A_6, %get3A_7] : memref<1000x128xf32, #tpu.memory_space<vmem>>, vector<1000x128xf32>
    %get3A_9 = arith.constant 128 : index
    %get3A_10 = arith.constant 0 : index
    %get3A_11 = vector.load %arg5[%get3A_9, %get3A_10] : memref<256x256xf32, #tpu.memory_space<vmem>>, vector<128x256xf32>
    %dot_general3A_12 = arith.constant dense<0.000000e+00> : vector<1000x256xf32>
    %dot_general3A_13 = tpu.matmul %get3A_8, %get3A_11, %dot_general3A_12 {dimension_numbers = #tpu.dot_dimension_numbers<[1], [0], [0], [1], [0, 0, 1, 1], [], []>, transpose_lhs_hint = false} : vector<1000x128xf32>, vector<128x256xf32>, vector<1000x256xf32> -> vector<1000x256xf32>
    %add3A = arith.addf %dot_general3A_5, %dot_general3A_13 : vector<1000x256xf32>
    %get3A_14 = arith.constant 0 : index
    %get3A_15 = arith.constant 0 : index
    %get3A_16 = vector.load %arg6[%get3A_14, %get3A_15] : memref<1x256xf32, #tpu.memory_space<vmem>>, vector<1x256xf32>
    %add3A_17 = vector.broadcast %get3A_16 : vector<1x256xf32> to vector<1000x256xf32>
    %add3A_18 = arith.addf %add3A, %add3A_17 : vector<1000x256xf32>
    %get3A_19 = arith.constant 0 : index
    %get3A_20 = arith.constant 0 : index
    %get3A_21 = vector.load %arg3[%get3A_19, %get3A_20] : memref<1000x128xf32, #tpu.memory_space<vmem>>, vector<1000x128xf32>
    %slice3A = vector.extract_strided_slice %add3A_18 {offsets = [0, 0], sizes = [1000, 128], strides = [1, 1]} : vector<1000x256xf32> to vector<1000x128xf32>
    %add3A_22 = arith.addf %get3A_21, %slice3A : vector<1000x128xf32>
    %mul3A = arith.constant 0.707106769 : f32
    %mul3A_23 = vector.broadcast %mul3A : f32 to vector<1000x128xf32>
    %mul3A_24 = arith.mulf %add3A_22, %mul3A_23 : vector<1000x128xf32>
    %swap3A = arith.constant 0 : index
    %swap3A_25 = arith.constant 0 : index
    %swap3A_26 = vector.load %arg7[%swap3A, %swap3A_25] : memref<1000x128xf32, #tpu.memory_space<vmem>>, vector<1000x128xf32>
    tpu.vector_store %arg7[%swap3A, %swap3A_25], %mul3A_24 {strides = array<i32>} : memref<1000x128xf32, #tpu.memory_space<vmem>>, vector<1000x128xf32>,
    %get3A_27 = arith.constant 0 : index
    %get3A_28 = arith.constant 0 : index
    %get3A_29 = vector.load %arg4[%get3A_27, %get3A_28] : memref<1000x128xf32, #tpu.memory_space<vmem>>, vector<1000x128xf32>
    %slice3A_30 = vector.extract_strided_slice %add3A_18 {offsets = [0, 128], sizes = [1000, 128], strides = [1, 1]} : vector<1000x256xf32> to vector<1000x128xf32>
    %add3A_31 = arith.addf %get3A_29, %slice3A_30 : vector<1000x128xf32>
    %mul3A_32 = arith.constant 0.707106769 : f32
    %mul3A_33 = vector.broadcast %mul3A_32 : f32 to vector<1000x128xf32>
    %mul3A_34 = arith.mulf %add3A_31, %mul3A_33 : vector<1000x128xf32>
    %swap3A_35 = arith.constant 0 : index
    %swap3A_36 = arith.constant 0 : index
    %swap3A_37 = vector.load %arg8[%swap3A_35, %swap3A_36] : memref<1000x128xf32, #tpu.memory_space<vmem>>, vector<1000x128xf32>
    tpu.vector_store %arg8[%swap3A_35, %swap3A_36], %mul3A_34 {strides = array<i32>} : memref<1000x128xf32, #tpu.memory_space<vmem>>, vector<1000x128xf32>,
    return
  }
  func.func @transform_0(%arg0: i32) -> (i32, i32) {
    %c0_i32 = arith.constant 0 : i32
    %c0_i32_0 = arith.constant 0 : i32
    return %arg0, %c0_i32 : i32, i32
  }
  func.func @transform_1(%arg0: i32) -> (i32, i32) {
    %c0_i32 = arith.constant 0 : i32
    %c0_i32_0 = arith.constant 0 : i32
    return %arg0, %c0_i32 : i32, i32
  }
  func.func @transform_2(%arg0: i32) -> (i32, i32) {
    %c0_i32 = arith.constant 0 : i32
    %c0_i32_0 = arith.constant 0 : i32
    return %arg0, %c0_i32 : i32, i32
  }
  func.func @transform_3(%arg0: i32) -> (i32, i32) {
    %c0_i32 = arith.constant 0 : i32
    %c0_i32_0 = arith.constant 0 : i32
    return %arg0, %c0_i32 : i32, i32
  }
  func.func @transform_4(%arg0: i32) -> (i32, i32) {
    %c0_i32 = arith.constant 0 : i32
    %c0_i32_0 = arith.constant 0 : i32
    %c0_i32_1 = arith.constant 0 : i32
    return %c0_i32, %c0_i32_0 : i32, i32
  }
  func.func @transform_5(%arg0: i32) -> (i32, i32) {
    %c0_i32 = arith.constant 0 : i32
    %c0_i32_0 = arith.constant 0 : i32
    %c0_i32_1 = arith.constant 0 : i32
    return %c0_i32, %c0_i32_0 : i32, i32
  }
  func.func @transform_6(%arg0: i32) -> (i32, i32) {
    %c0_i32 = arith.constant 0 : i32
    %c0_i32_0 = arith.constant 0 : i32
    return %arg0, %c0_i32 : i32, i32
  }
  func.func @transform_7(%arg0: i32) -> (i32, i32) {
    %c0_i32 = arith.constant 0 : i32
    %c0_i32_0 = arith.constant 0 : i32
    return %arg0, %c0_i32 : i32, i32
  }
}

module attributes {stable_mosaic.version = 14 : i64} {
  func.func @_final_bn_body(%arg0: i32, %arg1: i32, %arg2: memref<1000x128xf32, #tpu.memory_space<vmem>>, %arg3: memref<1000x128xf32, #tpu.memory_space<vmem>>, %arg4: memref<1000x128xf32, #tpu.memory_space<vmem>>, %arg5: memref<1000x128xf32, #tpu.memory_space<vmem>>, %arg6: memref<256x256xf32, #tpu.memory_space<vmem>>, %arg7: memref<1x256xf32, #tpu.memory_space<vmem>>, %arg8: memref<1x256xf32, #tpu.memory_space<vmem>>, %arg9: memref<1x256xf32, #tpu.memory_space<vmem>>, %arg10: memref<1000x256xf32, #tpu.memory_space<vmem>>, %arg11: memref<10000x256xf32, #tpu.memory_space<vmem>>, %arg12: memref<1x256xf32, #tpu.memory_space<vmem>>, %arg13: memref<1x256xf32, #tpu.memory_space<vmem>>) attributes {dimension_semantics = [#tpu.dimension_semantics<arbitrary>, #tpu.dimension_semantics<arbitrary>], iteration_bounds = array<i64: 2, 10>, scalar_prefetch = 0 : i64, scratch_operands = 3 : i64, tpu.core_type = #tpu.core_type<tc>, window_params = [{transform_indices = @transform_0, window_bounds = array<i64: 1000, 128>}, {transform_indices = @transform_1, window_bounds = array<i64: 1000, 128>}, {transform_indices = @transform_2, window_bounds = array<i64: 1000, 128>}, {transform_indices = @transform_3, window_bounds = array<i64: 1000, 128>}, {pipeline_mode = #tpu.pipeline_mode<synchronous>, transform_indices = @transform_4, window_bounds = array<i64: 256, 256>}, {pipeline_mode = #tpu.pipeline_mode<synchronous>, transform_indices = @transform_5, window_bounds = array<i64: 1, 256>}, {pipeline_mode = #tpu.pipeline_mode<synchronous>, transform_indices = @transform_6, window_bounds = array<i64: 1, 256>}, {pipeline_mode = #tpu.pipeline_mode<synchronous>, transform_indices = @transform_7, window_bounds = array<i64: 1, 256>}, {transform_indices = @transform_8, window_bounds = array<i64: 1000, 256>}]} {
    %eq3A = arith.constant 0 : i32
    %eq3A_0 = arith.cmpi eq, %arg0, %eq3A : i32
    %convert_element_type3A = arith.extui %eq3A_0 : i1 to i32
    %cond3A = arith.constant 0 : i32
    %cond3A_1 = arith.cmpi ne, %convert_element_type3A, %cond3A : i32
    scf.if %cond3A_1 {
      %get3A = arith.constant 0 : index
      %get3A_7 = arith.constant 0 : index
      %get3A_8 = vector.load %arg2[%get3A, %get3A_7] : memref<1000x128xf32, #tpu.memory_space<vmem>>, vector<1000x128xf32>
      %get3A_9 = arith.constant 0 : index
      %get3A_10 = arith.constant 0 : index
      %get3A_11 = vector.load %arg6[%get3A_9, %get3A_10] : memref<256x256xf32, #tpu.memory_space<vmem>>, vector<128x256xf32>
      %dot_general3A = arith.constant dense<0.000000e+00> : vector<1000x256xf32>
      %dot_general3A_12 = tpu.matmul %get3A_8, %get3A_11, %dot_general3A {dimension_numbers = #tpu.dot_dimension_numbers<[1], [0], [0], [1], [0, 0, 1, 1], [], []>, transpose_lhs_hint = false} : vector<1000x128xf32>, vector<128x256xf32>, vector<1000x256xf32> -> vector<1000x256xf32>
      %get3A_13 = arith.constant 0 : index
      %get3A_14 = arith.constant 0 : index
      %get3A_15 = vector.load %arg3[%get3A_13, %get3A_14] : memref<1000x128xf32, #tpu.memory_space<vmem>>, vector<1000x128xf32>
      %get3A_16 = arith.constant 128 : index
      %get3A_17 = arith.constant 0 : index
      %get3A_18 = vector.load %arg6[%get3A_16, %get3A_17] : memref<256x256xf32, #tpu.memory_space<vmem>>, vector<128x256xf32>
      %dot_general3A_19 = arith.constant dense<0.000000e+00> : vector<1000x256xf32>
      %dot_general3A_20 = tpu.matmul %get3A_15, %get3A_18, %dot_general3A_19 {dimension_numbers = #tpu.dot_dimension_numbers<[1], [0], [0], [1], [0, 0, 1, 1], [], []>, transpose_lhs_hint = false} : vector<1000x128xf32>, vector<128x256xf32>, vector<1000x256xf32> -> vector<1000x256xf32>
      %add3A = arith.addf %dot_general3A_12, %dot_general3A_20 : vector<1000x256xf32>
      %get3A_21 = arith.constant 0 : index
      %get3A_22 = arith.constant 0 : index
      %get3A_23 = vector.load %arg7[%get3A_21, %get3A_22] : memref<1x256xf32, #tpu.memory_space<vmem>>, vector<1x256xf32>
      %add3A_24 = vector.broadcast %get3A_23 : vector<1x256xf32> to vector<1000x256xf32>
      %add3A_25 = arith.addf %add3A, %add3A_24 : vector<1000x256xf32>
      %get3A_26 = arith.constant 0 : index
      %get3A_27 = arith.constant 0 : index
      %get3A_28 = vector.load %arg4[%get3A_26, %get3A_27] : memref<1000x128xf32, #tpu.memory_space<vmem>>, vector<1000x128xf32>
      %get3A_29 = arith.constant 0 : index
      %get3A_30 = arith.constant 0 : index
      %get3A_31 = vector.load %arg5[%get3A_29, %get3A_30] : memref<1000x128xf32, #tpu.memory_space<vmem>>, vector<1000x128xf32>
      %concatenate3A = tpu.concatenate %get3A_28, %get3A_31 in 1 : vector<1000x128xf32>, vector<1000x128xf32> -> vector<1000x256xf32>
      %add3A_32 = arith.addf %concatenate3A, %add3A_25 : vector<1000x256xf32>
      %mul3A = arith.constant 0.707106769 : f32
      %mul3A_33 = vector.broadcast %mul3A : f32 to vector<1000x256xf32>
      %mul3A_34 = arith.mulf %add3A_32, %mul3A_33 : vector<1000x256xf32>
      %mul3A_35 = arith.constant 1000 : i32
      %mul3A_36 = arith.muli %arg1, %mul3A_35 : i32
      %swap3A = arith.index_cast %mul3A_36 : i32 to index
      %swap3A_37 = arith.constant 0 : index
      %swap3A_38 = vector.load %arg11[%swap3A, %swap3A_37] : memref<10000x256xf32, #tpu.memory_space<vmem>>, vector<1000x256xf32>
      tpu.vector_store %arg11[%swap3A, %swap3A_37], %mul3A_34 {strides = array<i32>} : memref<10000x256xf32, #tpu.memory_space<vmem>>, vector<1000x256xf32>,
      %eq3A_39 = arith.constant 0 : i32
      %eq3A_40 = arith.cmpi eq, %arg1, %eq3A_39 : i32
      %convert_element_type3A_41 = arith.extui %eq3A_40 : i1 to i32
      %cond3A_42 = arith.constant 0 : i32
      %cond3A_43 = arith.cmpi ne, %convert_element_type3A_41, %cond3A_42 : i32
      scf.if %cond3A_43 {
        %broadcast_in_dim3A_63 = arith.constant 0.000000e+00 : f32
        %broadcast_in_dim3A_64 = vector.broadcast %broadcast_in_dim3A_63 : f32 to vector<1x256xf32>
        %swap3A_65 = arith.constant 0 : index
        %swap3A_66 = arith.constant 0 : index
        %swap3A_67 = vector.load %arg12[%swap3A_65, %swap3A_66] : memref<1x256xf32, #tpu.memory_space<vmem>>, vector<1x256xf32>
        tpu.vector_store %arg12[%swap3A_65, %swap3A_66], %broadcast_in_dim3A_64 {strides = array<i32>} : memref<1x256xf32, #tpu.memory_space<vmem>>, vector<1x256xf32>,
        %broadcast_in_dim3A_68 = arith.constant 0.000000e+00 : f32
        %broadcast_in_dim3A_69 = vector.broadcast %broadcast_in_dim3A_68 : f32 to vector<1x256xf32>
        %swap3A_70 = arith.constant 0 : index
        %swap3A_71 = arith.constant 0 : index
        %swap3A_72 = vector.load %arg13[%swap3A_70, %swap3A_71] : memref<1x256xf32, #tpu.memory_space<vmem>>, vector<1x256xf32>
        tpu.vector_store %arg13[%swap3A_70, %swap3A_71], %broadcast_in_dim3A_69 {strides = array<i32>} : memref<1x256xf32, #tpu.memory_space<vmem>>, vector<1x256xf32>,
      } else {
      }
      %get3A_44 = arith.constant 0 : index
      %get3A_45 = arith.constant 0 : index
      %get3A_46 = vector.load %arg12[%get3A_44, %get3A_45] : memref<1x256xf32, #tpu.memory_space<vmem>>, vector<1x256xf32>
      %reduce_sum3A = arith.constant dense<0.000000e+00> : vector<256xf32>
      %reduce_sum3A_47 = vector.multi_reduction <add>, %mul3A_34, %reduce_sum3A [0] : vector<1000x256xf32> to vector<256xf32>
      %broadcast_in_dim3A = vector.shape_cast %reduce_sum3A_47 : vector<256xf32> to vector<1x256xf32>
      %add3A_48 = arith.addf %get3A_46, %broadcast_in_dim3A : vector<1x256xf32>
      %swap3A_49 = arith.constant 0 : index
      %swap3A_50 = arith.constant 0 : index
      %swap3A_51 = vector.load %arg12[%swap3A_49, %swap3A_50] : memref<1x256xf32, #tpu.memory_space<vmem>>, vector<1x256xf32>
      tpu.vector_store %arg12[%swap3A_49, %swap3A_50], %add3A_48 {strides = array<i32>} : memref<1x256xf32, #tpu.memory_space<vmem>>, vector<1x256xf32>,
      %get3A_52 = arith.constant 0 : index
      %get3A_53 = arith.constant 0 : index
      %get3A_54 = vector.load %arg13[%get3A_52, %get3A_53] : memref<1x256xf32, #tpu.memory_space<vmem>>, vector<1x256xf32>
      %mul3A_55 = arith.mulf %mul3A_34, %mul3A_34 : vector<1000x256xf32>
      %reduce_sum3A_56 = arith.constant dense<0.000000e+00> : vector<256xf32>
      %reduce_sum3A_57 = vector.multi_reduction <add>, %mul3A_55, %reduce_sum3A_56 [0] : vector<1000x256xf32> to vector<256xf32>
      %broadcast_in_dim3A_58 = vector.shape_cast %reduce_sum3A_57 : vector<256xf32> to vector<1x256xf32>
      %add3A_59 = arith.addf %get3A_54, %broadcast_in_dim3A_58 : vector<1x256xf32>
      %swap3A_60 = arith.constant 0 : index
      %swap3A_61 = arith.constant 0 : index
      %swap3A_62 = vector.load %arg13[%swap3A_60, %swap3A_61] : memref<1x256xf32, #tpu.memory_space<vmem>>, vector<1x256xf32>
      tpu.vector_store %arg13[%swap3A_60, %swap3A_61], %add3A_59 {strides = array<i32>} : memref<1x256xf32, #tpu.memory_space<vmem>>, vector<1x256xf32>,
    } else {
    }
    %eq3A_2 = arith.constant 1 : i32
    %eq3A_3 = arith.cmpi eq, %arg0, %eq3A_2 : i32
    %convert_element_type3A_4 = arith.extui %eq3A_3 : i1 to i32
    %cond3A_5 = arith.constant 0 : i32
    %cond3A_6 = arith.cmpi ne, %convert_element_type3A_4, %cond3A_5 : i32
    scf.if %cond3A_6 {
      %get3A = arith.constant 0 : index
      %get3A_7 = arith.constant 0 : index
      %get3A_8 = vector.load %arg12[%get3A, %get3A_7] : memref<1x256xf32, #tpu.memory_space<vmem>>, vector<1x256xf32>
      %div3A = arith.constant 1.000000e+04 : f32
      %div3A_9 = vector.broadcast %div3A : f32 to vector<1x256xf32>
      %div3A_10 = arith.divf %get3A_8, %div3A_9 : vector<1x256xf32>
      %get3A_11 = arith.constant 0 : index
      %get3A_12 = arith.constant 0 : index
      %get3A_13 = vector.load %arg13[%get3A_11, %get3A_12] : memref<1x256xf32, #tpu.memory_space<vmem>>, vector<1x256xf32>
      %div3A_14 = arith.constant 1.000000e+04 : f32
      %div3A_15 = vector.broadcast %div3A_14 : f32 to vector<1x256xf32>
      %div3A_16 = arith.divf %get3A_13, %div3A_15 : vector<1x256xf32>
      %mul3A = arith.mulf %div3A_10, %div3A_10 : vector<1x256xf32>
      %sub3A = arith.subf %div3A_16, %mul3A : vector<1x256xf32>
      %add3A = arith.constant 9.99999974E-6 : f32
      %add3A_17 = vector.broadcast %add3A : f32 to vector<1x256xf32>
      %add3A_18 = arith.addf %sub3A, %add3A_17 : vector<1x256xf32>
      %rsqrt3A = math.rsqrt %add3A_18 : vector<1x256xf32>
      %get3A_19 = arith.constant 0 : index
      %get3A_20 = arith.constant 0 : index
      %get3A_21 = vector.load %arg8[%get3A_19, %get3A_20] : memref<1x256xf32, #tpu.memory_space<vmem>>, vector<1x256xf32>
      %mul3A_22 = arith.mulf %rsqrt3A, %get3A_21 : vector<1x256xf32>
      %get3A_23 = arith.constant 0 : index
      %get3A_24 = arith.constant 0 : index
      %get3A_25 = vector.load %arg9[%get3A_23, %get3A_24] : memref<1x256xf32, #tpu.memory_space<vmem>>, vector<1x256xf32>
      %mul3A_26 = arith.mulf %div3A_10, %mul3A_22 : vector<1x256xf32>
      %sub3A_27 = arith.subf %get3A_25, %mul3A_26 : vector<1x256xf32>
      %mul3A_28 = arith.constant 1000 : i32
      %mul3A_29 = arith.muli %arg1, %mul3A_28 : i32
      %get3A_30 = arith.index_cast %mul3A_29 : i32 to index
      %get3A_31 = arith.constant 0 : index
      %get3A_32 = vector.load %arg11[%get3A_30, %get3A_31] : memref<10000x256xf32, #tpu.memory_space<vmem>>, vector<1000x256xf32>
      %mul3A_33 = vector.broadcast %mul3A_22 : vector<1x256xf32> to vector<1000x256xf32>
      %mul3A_34 = arith.mulf %get3A_32, %mul3A_33 : vector<1000x256xf32>
      %add3A_35 = vector.broadcast %sub3A_27 : vector<1x256xf32> to vector<1000x256xf32>
      %add3A_36 = arith.addf %mul3A_34, %add3A_35 : vector<1000x256xf32>
      %swap3A = arith.constant 0 : index
      %swap3A_37 = arith.constant 0 : index
      %swap3A_38 = vector.load %arg10[%swap3A, %swap3A_37] : memref<1000x256xf32, #tpu.memory_space<vmem>>, vector<1000x256xf32>
      tpu.vector_store %arg10[%swap3A, %swap3A_37], %add3A_36 {strides = array<i32>} : memref<1000x256xf32, #tpu.memory_space<vmem>>, vector<1000x256xf32>,
    } else {
    }
    return
  }
  func.func @transform_0(%arg0: i32, %arg1: i32) -> (i32, i32) {
    %sub3A = arith.constant 1 : i32
    %sub3A_0 = arith.subi %sub3A, %arg0 : i32
    %mul3A = arith.muli %arg1, %sub3A_0 : i32
    %c0_i32 = arith.constant 0 : i32
    %c0_i32_1 = arith.constant 0 : i32
    return %mul3A, %c0_i32 : i32, i32
  }
  func.func @transform_1(%arg0: i32, %arg1: i32) -> (i32, i32) {
    %sub3A = arith.constant 1 : i32
    %sub3A_0 = arith.subi %sub3A, %arg0 : i32
    %mul3A = arith.muli %arg1, %sub3A_0 : i32
    %c0_i32 = arith.constant 0 : i32
    %c0_i32_1 = arith.constant 0 : i32
    return %mul3A, %c0_i32 : i32, i32
  }
  func.func @transform_2(%arg0: i32, %arg1: i32) -> (i32, i32) {
    %sub3A = arith.constant 1 : i32
    %sub3A_0 = arith.subi %sub3A, %arg0 : i32
    %mul3A = arith.muli %arg1, %sub3A_0 : i32
    %c0_i32 = arith.constant 0 : i32
    %c0_i32_1 = arith.constant 0 : i32
    return %mul3A, %c0_i32 : i32, i32
  }
  func.func @transform_3(%arg0: i32, %arg1: i32) -> (i32, i32) {
    %sub3A = arith.constant 1 : i32
    %sub3A_0 = arith.subi %sub3A, %arg0 : i32
    %mul3A = arith.muli %arg1, %sub3A_0 : i32
    %c0_i32 = arith.constant 0 : i32
    %c0_i32_1 = arith.constant 0 : i32
    return %mul3A, %c0_i32 : i32, i32
  }
  func.func @transform_4(%arg0: i32, %arg1: i32) -> (i32, i32) {
    %c0_i32 = arith.constant 0 : i32
    %c0_i32_0 = arith.constant 0 : i32
    %c0_i32_1 = arith.constant 0 : i32
    return %c0_i32, %c0_i32_0 : i32, i32
  }
  func.func @transform_5(%arg0: i32, %arg1: i32) -> (i32, i32) {
    %c0_i32 = arith.constant 0 : i32
    %c0_i32_0 = arith.constant 0 : i32
    %c0_i32_1 = arith.constant 0 : i32
    return %c0_i32, %c0_i32_0 : i32, i32
  }
  func.func @transform_6(%arg0: i32, %arg1: i32) -> (i32, i32) {
    %c0_i32 = arith.constant 0 : i32
    %c0_i32_0 = arith.constant 0 : i32
    %c0_i32_1 = arith.constant 0 : i32
    return %c0_i32, %c0_i32_0 : i32, i32
  }
  func.func @transform_7(%arg0: i32, %arg1: i32) -> (i32, i32) {
    %c0_i32 = arith.constant 0 : i32
    %c0_i32_0 = arith.constant 0 : i32
    %c0_i32_1 = arith.constant 0 : i32
    return %c0_i32, %c0_i32_0 : i32, i32
  }
  func.func @transform_8(%arg0: i32, %arg1: i32) -> (i32, i32) {
    %mul3A = arith.muli %arg1, %arg0 : i32
    %c0_i32 = arith.constant 0 : i32
    %c0_i32_0 = arith.constant 0 : i32
    return %mul3A, %c0_i32 : i32, i32
  }
}

</mosaic_0001>

<sc_bundles>
// kernel: kernel.10.cloned.1.call-start
scs
__scs_entry_jumppad:
0x0: {  	(pc) =	sbr.rel $0x88, $3  }
0x1: {  	(tag) =	ssettag $0x0;
	lr =	simm.s32 $0x1  }
0x2: {  	[smem:$0x3F97] =	sst lr;
	_ =	strace $0xD0000000  }
0x3: {  	_ = 	snop  }
0x4: {  	_ = 	snop  }
0x5: {  	_ = 	snop  }
0x6: {  	_ = 	snop  }
0x7: {  	_ = 	snop  }
__scs_overlays_trampoline_lowered:
0x8: {  	[smem:$0x3FA6] =	sst s0  }
0x9: {  	[smem:$0x3FA7] =	sst s1  }
0xa: {  	[smem:$0x3FA8] =	sst s2  }
0xb: {  	[smem:$0x3FA9] =	sst s3  }
0xc: {  	[smem:$0x3FAA] =	sst s4  }
0xd: {  	[smem:$0x3FAB] =	sst s5  }
0xe: {  	[smem:$0x3FAC] =	sst s6  }
0xf: {  	[smem:$0x3FAD] =	sst s7  }
0x10: {  	[smem:$0x3FAE] =	sst s8  }
0x11: {  	[smem:$0x3FAF] =	sst s9;
	s0 =	simm.s32 @!p0 $0x0  }
0x12: {  	s1 =	sld [smem:$0x3F95];
	s0 =	simm.s32 @p0 $0x1  }
0x13: {  	[smem:$0x3FB0] =	sst s0;
	s0 =	simm.s32 @!p1 $0x0  }
0x14: {  	s2 =	sld [smem:$0x3F94];
	s0 =	simm.s32 @p1 $0x1  }
0x15: {  	[smem:$0x3FB1] =	sst s0;
	s0 =	simm.s32 @!p2 $0x0  }
0x16: {  	s3 =	sld [smem:$0x3FDB];
	s0 =	simm.s32 @p2 $0x1  }
0x17: {  	s4 =	simm.s32 $0x1BF5;
	[smem:$0x3FB3] =	sst s0  }
0x18: {  	s0 =	sld [smem:$0x3F96];
	_ =	swait.ge [sflag:s4], $0x0  }
0x19: {  	s7 =	sld [smem:$0x3F97]  }
0x1a: {  	s8 =	sadd.s32 $0xFFFFE003, lr  }
0x1b: {  	s9 =	sadd.s32 $0xFFFFFEF7, lr;
	s5 =	simm.s32 $0xFFFFFFFF;
	p2 =	slt.u32 s8, $0xFFFFF086  }
0x1c: {  	p1 =	slt.u32 s9, $0xF7A;
	s5 =	simm.s32 @!p2 $0x0  }
0x1d: {  	s5 =	simm.s32 @p1 $0x1;
	p0 =	seq.s32 s7, s2  }
0x1e: {  	s7 =	smul.u32 @!p0 $0xF7A, s2;
	p2 =	seq.s32 @!p0 s5, $0x0  }
0x1f: {  	s9 =	smul.u32 $0xF7A, s1;
	s8 =	simm.s32 @!p0 $0x1BF5;
	p2 =	por !p2, p0  }
0x20: {  	[sflag:s8] =	ssyncset.s32 @!p0 $0xFFFFF086;
	s6 =	sadd.s32 @!p0 s3, s7;
	s7 =	simm.s32 @!p0 $0x108  }
0x21: {  	s3 =	sadd.s32 s3, s9;
	s6 =	sadd.s32 @!p0 $0x88, s6;
	s7 =	simm.s32 @p2 $0x1082  }
0x22: {  	[simem:s7], [sflag:s8] =	dma.local @!p0 [hbm:s6], $0xF7A  }
0x23: {  	s9 =	sor.u32 $0xD0000000, s2;
	s6 =	simm.s32 $0x108;
	_ =	swait.ge @!p0 [sflag:s8], $0x0  }
0x24: {  	s3 =	sadd.s32 $0x88, s3;
	s6 =	simm.s32 @!p1 $0x1082;
	[sflag:s4] =	ssyncset.s32 $0xFFFFF086  }
0x25: {  	[simem:s6], [sflag:s4] =	dma.local [hbm:s3], $0xF7A  }
0x26: {  	[smem:$0x3F97] =	sst s1;
	(tag) =	ssettag s2;
	_ =	strace s9  }
0x27: {  	s1 =	sld [smem:$0x3FA7]  }
0x28: {  	s2 =	sld [smem:$0x3FA8]  }
0x29: {  	s4 =	sld [smem:$0x3FAA]  }
0x2a: {  	p0 =	seq.s32 s5, $0x0;
	s5 =	sld [smem:$0x3FAB]  }
0x2b: {  	s6 =	sld [smem:$0x3FAC]  }
0x2c: {  	s7 =	sld [smem:$0x3FAD]  }
0x2d: {  	s3 =	simm.s32 $0x108;
	s8 =	sld [smem:$0x3FAE]  }
0x2e: {  	s3 =	simm.s32 @!p0 $0x1082;
	s9 =	sld [smem:$0x3FAF]  }
0x2f: {  	lr =	sadd.s32 s0, s3;
	s0 =	sld [smem:$0x3FA6]  }
0x30: {  	s3 =	sld [smem:$0x3FA9]  }
0x31: {  	[smem:$0x3FB2] =	sst s10  }
0x32: {  	s10 =	sld [smem:$0x3FB0];
	_ =	sdelay $0x3  }
0x33: {  	p0 =	seq.s32 s10, $0x1;
	s10 =	sld [smem:$0x3FB2];
	_ =	sdelay $0x3  }
0x34: {  	[smem:$0x3FB2] =	sst s10  }
0x35: {  	s10 =	sld [smem:$0x3FB1];
	_ =	sdelay $0x3  }
0x36: {  	p1 =	seq.s32 s10, $0x1;
	s10 =	sld [smem:$0x3FB2];
	_ =	sdelay $0x3  }
0x37: {  	[smem:$0x3FB2] =	sst s10  }
0x38: {  	s10 =	sld [smem:$0x3FB3]  }
0x39: {  	_ = 	snop;
	(pc) =	sbr.ind lr, $3  }
0x3a: {  	_ = 	snop  }
0x3b: {  	_ = 	snop  }
0x3c: {  	p2 =	seq.s32 s10, $0x1;
	s10 =	sld [smem:$0x3FB2]  }
0x3d: {  	_ =	shalt  }
0x3e: {  	_ =	shalt  }
0x3f: {  	_ =	shalt  }
0x40: {  	_ =	shalt  }
0x41: {  	_ =	shalt  }
0x42: {  	_ =	shalt  }
0x43: {  	_ =	shalt  }
0x44: {  	_ =	shalt  }
0x45: {  	_ =	shalt  }
0x46: {  	_ =	shalt  }
0x47: {  	_ =	shalt  }
0x48: {  	_ =	shalt  }
0x49: {  	_ =	shalt  }
0x4a: {  	_ =	shalt  }
0x4b: {  	_ =	shalt  }
0x4c: {  	_ =	shalt  }
0x4d: {  	_ =	shalt  }
0x4e: {  	_ =	shalt  }
0x4f: {  	_ =	shalt  }
0x50: {  	_ =	shalt  }
0x51: {  	_ =	shalt  }
0x52: {  	_ =	shalt  }
0x53: {  	_ =	shalt  }
0x54: {  	_ =	shalt  }
0x55: {  	_ =	shalt  }
0x56: {  	_ =	shalt  }
0x57: {  	_ =	shalt  }
0x58: {  	_ =	shalt  }
0x59: {  	_ =	shalt  }
0x5a: {  	_ =	shalt  }
0x5b: {  	_ =	shalt  }
0x5c: {  	_ =	shalt  }
0x5d: {  	_ =	shalt  }
0x5e: {  	_ =	shalt  }
0x5f: {  	_ =	shalt  }
0x60: {  	_ =	shalt  }
0x61: {  	_ =	shalt  }
0x62: {  	_ =	shalt  }
0x63: {  	_ =	shalt  }
0x64: {  	_ =	shalt  }
0x65: {  	_ =	shalt  }
0x66: {  	_ =	shalt  }
0x67: {  	_ =	shalt  }
0x68: {  	_ =	shalt  }
0x69: {  	_ =	shalt  }
0x6a: {  	_ =	shalt  }
0x6b: {  	_ =	shalt  }
0x6c: {  	_ =	shalt  }
0x6d: {  	_ =	shalt  }
0x6e: {  	_ =	shalt  }
0x6f: {  	_ =	shalt  }
0x70: {  	_ =	shalt  }
0x71: {  	_ =	shalt  }
0x72: {  	_ =	shalt  }
0x73: {  	_ =	shalt  }
0x74: {  	_ =	shalt  }
0x75: {  	_ =	shalt  }
0x76: {  	_ =	shalt  }
0x77: {  	_ =	shalt  }
0x78: {  	_ =	shalt  }
0x79: {  	_ =	shalt  }
0x7a: {  	_ =	shalt  }
0x7b: {  	_ =	shalt  }
0x7c: {  	_ =	shalt  }
0x7d: {  	_ =	shalt  }
0x7e: {  	_ =	shalt  }
0x7f: {  	_ =	shalt  }
0x80: {  	_ =	shalt  }
0x81: {  	_ =	shalt  }
0x82: {  	_ =	shalt  }
0x83: {  	_ =	shalt  }
0x84: {  	_ =	shalt  }
0x85: {  	_ =	shalt  }
0x86: {  	_ =	shalt  }
0x87: {  	_ =	shalt  }
.Lfunc_end0:
.L_simem_size_0:
called_computation.1_lowered:
.L_overlay_start_0:
0x88: {  	s2 =	sld [smem:$0x3FD9]  }
0x89: {  	s3 =	sld [smem:$0x3FFE];
	_ =	sdelay $0x1  }
0x8a: {  	s1 =	srdreg.scid  }
0x8b: {  	s0 =	sand.u32 $0x1, s1  }
0x8c: {  	s17 =	sshll.u32 s0, $0xA;
	s2 =	sadd.s32 s3, s2  }
0x8d: {  	s2 =	sadd.s32 s2, s17  }
0x8e: {  	[smem:$0x3FBE] =	sst s2  }
0x8f: {  	_ = 	snop  }
0x90: {  	s2 =	sld [smem:$0x3FD0];
	(tm) =	ssettm $0x1  }
0x91: {  	s18 =	sld [smem:$0x3FFB];
	_ =	sdelay $0x3  }
0x92: {  	_ =	strace s18  }
0x93: {  	s3 =	sld [smem:$0x3FFC];
	_ =	sdelay $0x3  }
0x94: {  	_ =	strace s3  }
0x95: {  	s3 =	sld [smem:$0x3FFD];
	_ =	sdelay $0x3  }
0x96: {  	_ =	strace s3  }
0x97: {  	_ =	strace $0x8FFFFFFF  }
0x98: {  	s19 =	sld [smem:$0x3FDB];
	_ =	sdelay $0x1  }
0x99: {  	s4 =	simm.s32 $_scs_section_size  }
0x9a: {  	s5 =	simm.s32 $_size__tile_overlayer_lowered;
	s6 =	simm.s32 $_tile_overlayer_lowered  }
0x9b: {  	s22 =	simm.s32 $0x1BFF;
	s21 =	sshll.u32 s6, $0x1;
	s3 =	sadd.s32 s4, s19  }
0x9c: {  	s7 =	simm.s32 $0x0;
	s20 =	sshll.u32 s5, $0x1;
	s5 =	sadd.s32 s21, s3  }
0x9d: {  	[timem:s7], [sflag:s22] =	dma.local [hbm:s5], s20  }
0x9e: {  	_ =	swait.ge [sflag:s22], s20  }
0x9f: {  	s4 =	ssub.s32 $0x0, s20;
	[sflag:s22] =	ssyncset.done $0x0  }
0xa0: {  	[sflag:s22] =	ssyncadd.s32 s4;
	_ =	sdelay $0x1  }
0xa1: {  	s23 =	simm.s32 $0x1B8B  }
0xa2: {  	_ =	swait.ge [sflag:s23], $0x1  }
0xa3: {  	[sflag:s23] =	ssyncset.done $0x0  }
0xa4: {  	s25 =	simm.s32 $0x1B8E;
	s24 =	sld [smem:$0x3FFE];
	[sflag:s23] =	ssyncadd.s32 $0xFFFFFFFF  }
0xa5: {  	s26 =	simm.s32 $execute0_lowered;
	[smem:$0x3FD2] =	sst s25  }
0xa6: {  	s5 =	sshll.u32 s26, $0x1;
	_ =	strace $0x80000049;
	[dreg:$0x1] =	wrdreg $0xFFFFFFFF  }
0xa7: {  	s28 =	simm.s32 $_size_execute0_lowered;
	s3 =	sadd.s32 s3, s5;
	[dreg:$0x0] =	wrdreg $0x0  }
0xa8: {  	s5 =	sshll.u32 s28, $0x1;
	[dreg:$0x2] =	wrdreg s3  }
0xa9: {  	[dreg:$0x3] =	wrdreg s5  }
0xaa: {  	[dreg:$0x4] =	wrdreg $0xC0  }
0xab: {  	_ =	task [dreg:s7], $0x5FFFF  }
0xac: {  	[dreg:$0x1] =	wrdreg $0xFFFFFFFF  }
0xad: {  	[dreg:$0x0] =	wrdreg $0x60  }
0xae: {  	[dreg:$0x2] =	wrdreg s2  }
0xaf: {  	[dreg:$0x3] =	wrdreg s24  }
0xb0: {  	[dreg:$0x4] =	wrdreg $0x0  }
0xb1: {  	[dreg:$0x5] =	wrdreg $0x9  }
0xb2: {  	_ =	task.clear_ibuf [dreg:s7], $0x6FFFF;
	_ =	strace $0x90000049  }
0xb3: {  	s29 =	simm.s32 $0x9;
	_ =	strace $0x8000004B  }
0xb4: {  	_ =	swait.ge [sflag:s29], $0x1  }
0xb5: {  	[sflag:s29] =	ssyncadd.s32 $0xFFFFFFFF  }
0xb6: {  	_ =	strace $0x9000004B  }
0xb7: {  	_ =	sfence  }
0xb8: {  	s30 =	sld [smem:$0x0];
	_ =	sdelay $0x2  }
0xb9: {  	s31 =	sshll.u32 s1, $0xD;
	s1 =	sshrl.u32 s1, $0x2  }
0xba: {  	s3 =	sand.u32 $0x4000, s31;
	s1 =	sadd.s32 s1, s30  }
0xbb: {  	s0 =	sor.u32 s3, s0;
	s1 =	sshll.u32 s1, $0x11  }
0xbc: {  	s0 =	sor.u32 s1, s0  }
0xbd: {  	s0 =	sadd.s32 $0x8F2B, s0  }
0xbe: {  	[sflag:s0] =	ssyncadd.remote.s32 $0x1  }
0xbf: {  	_ =	sfence.sel $0xFFFF  }
0xc0: {  	[dreg:$0x0] =	wrdreg $0xFFFFFFFF;
	(pc) =	sbr.abs _section_cstart, $3  }
0xc1: {  	[dreg:$0x1] =	wrdreg $0xFFFFFFFF  }
0xc2: {  	_ =	task.clear_ibuf [dreg:s7], $0x2FFFF;
	_ =	strace $0x9FFFFFFF  }
0xc3: {  	(tm) =	ssettm $0x7FFFFFFF  }
tec
execute0_lowered:
.L_overlay_start_1:
0x0: {  	(tag) =	ssettag $0x1  }
0x1: {  	s0 =	rddreg [dreg:$0x0]  }
0x2: {  	s1 =	rddreg [dreg:$0x1]  }
0x3: {  	s2 =	rddreg [dreg:$0x2];
	s5 =	simm.s32 $0x0  }
0x4: {  	s3 =	stileid.u32;
	s4 =	srdreg.scid;
	s19 =	simm.s32 $0x2  }
0x5: {  	s23 =	simm.s32 $0x80;
	s24 =	simm.s32 $0x18900;
	s25 =	simm.s32 $0x1  }
0x6: {  	s26 =	simm.s32 $0x0;
	[smem:$0x7FF] =	sst s5;
	s30 =	smul.u32 $0x500, s3  }
0x7: {  	s17 =	sand.u32 $0x1, s4;
	s11 =	smul.u32 $0x2700, s3;
	s4 =	sadd.s32 $0xCC00, s1  }
0x8: {  	s8 =	smul.u32 $0x4E000, s3;
	s10 =	sadd.s32 $0x31500, s1;
	s12 =	sadd.s32 $0x24900, s0  }
0x9: {  	s14 =	sadd.s32 $0x7F900, s1;
	s16 =	sadd.s32 $0x58700, s1;
	_ =	strace $0x8000004A  }
0xa: {  	s6 =	ssub.s32 $0x2, s17;
	p0 =	seq.s32 s17, $0x0;
	p3 =	sne.s32 s17, $0x0  }
0xb: {  	s7 =	sshrl.u32 s6, $0x1;
	s9 =	sadd.s32 s30, s1;
	s15 =	sadd.s32 s11, s1  }
0xc: {  	s31 =	sshrl.u32 s8, $0x2;
	s8 =	sadd.s32 s4, s11;
	s11 =	sadd.s32 s0, s11  }
0xd: {  	s4 =	smov.u32 @p0 s0;
	p1 =	seq.s32 @p3 s3, $0xF;
	p4 =	seq.s32 @!p3 s3, $0xF  }
0xe: {  	s18 =	ssub.s32 s6, s7;
	s5 =	sadd.s32 $0x7C00, s9;
	s6 =	sadd.s32 $0x2C00, s9  }
0xf: {  	s7 =	sadd.s32 s31, s2;
	s9 =	sadd.s32 $0x124800, s2;
	s13 =	sadd.s32 $0x5B000, s15  }
0x10: {  	s15 =	sadd.s32 $0x33E00, s15;
	p0 =	por p1, !p3;
	p1 =	por !p1, !p3  }
0x11: {  	p2 =	por !p4, p3;
	p3 =	por p4, p3;
	s0 =	sshll.u32 @!p0 s3, $0x6  }
0x12: {  	s17 =	smax.u32 s18, $0x1;
	s21 =	sshrl.u32 @!p1 s9, $0x3;
	s22 =	sor.u32 @!p0 $0x1C02, s0  }
.LBB2_1:
0x13: {  	s0 =	simm.s32 $0x0;
	s1 =	simm.s32 $0x13900  }
0x14: {  	[tilespmem:s1], [sflag:$0x2] =	stream.linear.gather [hbm4b:s5+s0], $0x2780, $0x38;
	[tilespmem:$0x1C900] =	vst v63  }
0x15: {  	_ =	swait.ge [sflag:s19], $0x2780  }
0x16: {  	[sflag:s19] =	ssyncset.done $0x0  }
0x17: {  	s3 =	simm.s32 $0x16100;
	[sflag:s19] =	ssyncadd.s32 $0xFFFFD880  }
0x18: {  	[tilespmem:s3], [sflag:$0x2] =	stream.linear.gather [hbm4b:s6+s0], $0x2780, $0x38;
	[tilespmem:$0x1C900] =	vst v63  }
0x19: {  	_ =	swait.ge [sflag:s19], $0x2780  }
0x1a: {  	[sflag:s19] =	ssyncset.done $0x0  }
0x1b: {  	s0 =	simm.s32 @!p1 $0x1FC2;
	[sflag:s19] =	ssyncadd.s32 $0xFFFFD880  }
0x1c: {  	[spmem:s21], [sflag:s0] =	dma.local @!p1 [hbm:s10], $0x2800  }
0x1d: {  	s0 =	simm.s32 @!p1 $0x2  }
0x1e: {  	_ =	swait.ge @!p1 [sflag:s0], $0x2800  }
0x1f: {  	[sflag:s0] =	ssyncset.done @!p1 $0x0  }
0x20: {  	s28 =	sshrl.u32 @!p0 s7, $0x3;
	[sflag:s0] =	ssyncadd.s32 @!p1 $0xFFFFD800;
	s0 =	simm.s32 @!p0 $0x2  }
0x21: {  	[spmem:s28], [sflag:s22] =	dma.local @!p0 [hbm:s8], $0x2700  }
0x22: {  	_ =	swait.ge @!p0 [sflag:s0], $0x2700  }
0x23: {  	[sflag:s0] =	ssyncset.done @!p0 $0x0  }
0x24: {  	s29 =	sshrl.u32 @!p2 s9, $0x3;
	[sflag:s0] =	ssyncadd.s32 @!p0 $0xFFFFD900;
	s0 =	simm.s32 @!p2 $0x1FC2  }
0x25: {  	[spmem:s29], [sflag:s0] =	dma.local @!p2 [hbm:s12], $0x2800  }
0x26: {  	s0 =	simm.s32 @!p2 $0x2  }
0x27: {  	s1 =	stileid.u32;
	_ =	swait.ge @!p2 [sflag:s0], $0x2800  }
0x28: {  	s31 =	sshrl.u32 @!p3 s7, $0x3;
	s1 =	sshll.u32 @!p3 s1, $0x6;
	[sflag:s0] =	ssyncset.done @!p2 $0x0  }
0x29: {  	s30 =	sor.u32 @!p3 $0x1C02, s1;
	[sflag:s0] =	ssyncadd.s32 @!p2 $0xFFFFD800;
	s0 =	simm.s32 @!p3 $0x2  }
0x2a: {  	[spmem:s31], [sflag:s30] =	dma.local @!p3 [hbm:s11], $0x2700  }
0x2b: {  	_ =	swait.ge @!p3 [sflag:s0], $0x2700  }
0x2c: {  	[sflag:s0] =	ssyncset.done @!p3 $0x0  }
0x2d: {  	[sflag:s0] =	ssyncadd.s32 @!p3 $0xFFFFD900  }
0x2e: {  	s18 =	simm.s32 $0x13900;
	[bflag:$0x0] =	sbarrier.arrive $0xFFFF  }
0x2f: {  	[tilespmem:s24], [sflag:$0x1] =	stream.indirect.gather [hbm4b:s4+s23], $0x80, s18, s23, $0xb8;
	[tilespmem:$0x1C900] =	vst v63  }
0x30: {  	_ =	swait.ge [sflag:s25], $0x4000  }
0x31: {  	[sflag:s25] =	ssyncset.done $0x0  }
0x32: {  	s20 =	simm.s32 $0x16100;
	[sflag:s25] =	ssyncadd.s32 $0xFFFFC000  }
0x33: {  	[spmem:s2] =	stream.indirect.scatter.add.f32 [tilespmem:s24], [sflag:$0x2], $0x80, s20, s23, $0xb8;
	[tilespmem:$0x1C900] =	vst v63  }
0x34: {  	_ =	swait.ge [sflag:s19], $0x4000  }
0x35: {  	s1 =	simm.s32 $0x400;
	s0 =	simm.s32 $0x80;
	[sflag:s19] =	ssyncset.done $0x0  }
.LBB2_2:
0x36: {  	s18 =	sadd.s32 $0x13900, s0  }
0x37: {  	[sflag:s19] =	ssyncadd.s32 $0xFFFFC000;
	s20 =	smov.u32 s1;
	s3 =	sadd.s32 $0x200, s1  }
0x38: {  	[tilespmem:s24], [sflag:$0x1] =	stream.indirect.gather [hbm4b:s4+s23], $0x80, s18, s23, $0xb8;
	[tilespmem:$0x1C900] =	vst v63  }
0x39: {  	p4 =	sne.s32 s1, $0x9C00;
	_ =	swait.ge [sflag:s25], $0x4000  }
.Ltmp0:
0x3a: {  	[sflag:s25] =	ssyncset.done $0x0;
	(pc) =	sbr.rel @p4 .LBB2_2-.Ltmp0, $4  }
0x3b: {  	s0 =	sadd.s32 $0x16100, s0;
	[sflag:s25] =	ssyncadd.s32 $0xFFFFC000  }
0x3c: {  	[spmem:s2] =	stream.indirect.scatter.add.f32 [tilespmem:s24], [sflag:$0x2], $0x80, s0, s23, $0xb8;
	[tilespmem:$0x1C900] =	vst v63  }
0x3d: {  	_ =	swait.ge [sflag:s19], $0x4000  }
0x3e: {  	s1 =	smov.u32 s3;
	s0 =	sshra.s32 s20, $0x2;
	[sflag:s19] =	ssyncset.done $0x0  }
0x3f: {  	s1 =	sadd.s32 $0x13900, s0;
	[sflag:s19] =	ssyncadd.s32 $0xFFFFC000  }
0x40: {  	[tilespmem:s24], [sflag:$0x1] =	stream.indirect.gather [hbm4b:s4+s23], $0x80, s1, s23, $0xb8;
	[tilespmem:$0x1C900] =	vst v63  }
0x41: {  	_ =	swait.ge [sflag:s25], $0x4000  }
0x42: {  	[sflag:s25] =	ssyncset.done $0x0  }
0x43: {  	s20 =	sadd.s32 $0x16100, s0;
	[sflag:s25] =	ssyncadd.s32 $0xFFFFC000  }
0x44: {  	[spmem:s2] =	stream.indirect.scatter.add.f32 [tilespmem:s24], [sflag:$0x2], $0x80, s20, s23, $0xb8;
	[tilespmem:$0x1C900] =	vst v63  }
0x45: {  	_ =	swait.ge [sflag:s19], $0x4000  }
0x46: {  	[sflag:s19] =	ssyncset.done $0x0  }
0x47: {  	[sflag:s19] =	ssyncadd.s32 $0xFFFFC000  }
0x48: {  	s0 =	simm.s32 @!p1 $0x1FC2;
	[bflag:$0x0] =	sbarrier.arrive $0xFFFF  }
0x49: {  	[hbm:s14], [sflag:s0] =	dma.local @!p1 [spmem:s21], $0x2800  }
0x4a: {  	s0 =	simm.s32 @!p1 $0x2  }
0x4b: {  	_ =	swait.ge @!p1 [sflag:s0], $0x2800  }
0x4c: {  	[sflag:s0] =	ssyncset.done @!p1 $0x0  }
0x4d: {  	[sflag:s0] =	ssyncadd.s32 @!p1 $0xFFFFD800;
	s0 =	simm.s32 @!p0 $0x2  }
0x4e: {  	[hbm:s13], [sflag:s22] =	dma.local @!p0 [spmem:s28], $0x2700  }
0x4f: {  	_ =	swait.ge @!p0 [sflag:s0], $0x2700  }
0x50: {  	[sflag:s0] =	ssyncset.done @!p0 $0x0  }
0x51: {  	[sflag:s0] =	ssyncadd.s32 @!p0 $0xFFFFD900;
	s0 =	simm.s32 @!p2 $0x1FC2  }
0x52: {  	[hbm:s16], [sflag:s0] =	dma.local @!p2 [spmem:s29], $0x2800  }
0x53: {  	s0 =	simm.s32 @!p2 $0x2  }
0x54: {  	s26 =	sadd.s32 $0x1, s26;
	_ =	swait.ge @!p2 [sflag:s0], $0x2800  }
0x55: {  	p4 =	sne.s32 s26, s17;
	[sflag:s0] =	ssyncset.done @!p2 $0x0  }
.Ltmp1:
0x56: {  	[sflag:s0] =	ssyncadd.s32 @!p2 $0xFFFFD800;
	s0 =	simm.s32 @!p3 $0x2;
	(pc) =	sbr.rel @p4 .LBB2_1-.Ltmp1, $4  }
0x57: {  	[hbm:s15], [sflag:s30] =	dma.local @!p3 [spmem:s31], $0x2700  }
0x58: {  	_ =	swait.ge @!p3 [sflag:s0], $0x2700  }
0x59: {  	[sflag:s0] =	ssyncset.done @!p3 $0x0  }
0x5a: {  	[sflag:s0] =	ssyncadd.s32 @!p3 $0xFFFFD900  }
0x5b: {  	_ =	sfence.sel $0x180000  }
0x5c: {  	[bflag:$0x0] =	sbarrier.arrive $0xFFFF  }
0x5d: {  	_ =	strace $0x9000004A  }
0x5e: {  	s0 =	stileid.u32;
	[bflag:$0x2] =	sbarrier.arrive $0xFFFF  }
0x5f: {  	p0 =	sne.s32 s0, $0x0;
	s0 =	rddreg [dreg:$0x3]  }
0x60: {  	s0 =	sadd.s32 @!p0 $0x100000, s0  }
0x61: {  	[sflag:s0] =	ssyncadd.tile.s32 @!p0 $0x1;
	_ =	shalt  }
.Lfunc_end2:
_tile_overlayer_lowered:
.L_overlay_start_2:
0x62: {  	(tag) =	ssettag $0x2  }
0x63: {  	s0 =	rddreg [dreg:$0x0];
	s2 =	stileid.u32  }
0x64: {  	s1 =	rddreg [dreg:$0x1];
	p0 =	sne.s32 s2, $0x0  }
0x65: {  	s3 =	rddreg [dreg:$0x2];
	[bflag:$0x3] =	sbarrier.arrive $0xFFFF;
	s2 =	simm.s32 @!p0 $0x1C02  }
0x66: {  	[timem:s3], [sflag:s2] =	dma.local @!p0 [hbm:s0], s1  }
0x67: {  	s0 =	simm.s32 @!p0 $0x2  }
0x68: {  	_ =	swait.ge @!p0 [sflag:s0], s1  }
0x69: {  	s1 =	ssub.s32 @!p0 $0x0, s1;
	[sflag:s0] =	ssyncset.done @!p0 $0x0  }
0x6a: {  	[sflag:s0] =	ssyncadd.s32 @!p0 s1  }
0x6b: {  	[bflag:$0x3] =	sbarrier.arrive $0xFFFF  }
0x6c: {  	_ =	shalt  }

// kernel: kernel.7.cloned.1.call-start
scs
__scs_entry_jumppad:
0x0: {  	(pc) =	sbr.rel $0x88, $3  }
0x1: {  	(tag) =	ssettag $0x0;
	lr =	simm.s32 $0x1  }
0x2: {  	[smem:$0x3F97] =	sst lr;
	_ =	strace $0xD0000000  }
0x3: {  	_ = 	snop  }
0x4: {  	_ = 	snop  }
0x5: {  	_ = 	snop  }
0x6: {  	_ = 	snop  }
0x7: {  	_ = 	snop  }
__scs_overlays_trampoline_lowered:
0x8: {  	[smem:$0x3FA6] =	sst s0  }
0x9: {  	[smem:$0x3FA7] =	sst s1  }
0xa: {  	[smem:$0x3FA8] =	sst s2  }
0xb: {  	[smem:$0x3FA9] =	sst s3  }
0xc: {  	[smem:$0x3FAA] =	sst s4  }
0xd: {  	[smem:$0x3FAB] =	sst s5  }
0xe: {  	[smem:$0x3FAC] =	sst s6  }
0xf: {  	[smem:$0x3FAD] =	sst s7  }
0x10: {  	[smem:$0x3FAE] =	sst s8  }
0x11: {  	[smem:$0x3FAF] =	sst s9;
	s0 =	simm.s32 @!p0 $0x0  }
0x12: {  	s1 =	sld [smem:$0x3F95];
	s0 =	simm.s32 @p0 $0x1  }
0x13: {  	[smem:$0x3FB0] =	sst s0;
	s0 =	simm.s32 @!p1 $0x0  }
0x14: {  	s2 =	sld [smem:$0x3F94];
	s0 =	simm.s32 @p1 $0x1  }
0x15: {  	[smem:$0x3FB1] =	sst s0;
	s0 =	simm.s32 @!p2 $0x0  }
0x16: {  	s3 =	sld [smem:$0x3FDB];
	s0 =	simm.s32 @p2 $0x1  }
0x17: {  	s4 =	simm.s32 $0x1BF5;
	[smem:$0x3FB3] =	sst s0  }
0x18: {  	s0 =	sld [smem:$0x3F96];
	_ =	swait.ge [sflag:s4], $0x0  }
0x19: {  	s7 =	sld [smem:$0x3F97]  }
0x1a: {  	s8 =	sadd.s32 $0xFFFFE003, lr  }
0x1b: {  	s9 =	sadd.s32 $0xFFFFFEF7, lr;
	s5 =	simm.s32 $0xFFFFFFFF;
	p2 =	slt.u32 s8, $0xFFFFF086  }
0x1c: {  	p1 =	slt.u32 s9, $0xF7A;
	s5 =	simm.s32 @!p2 $0x0  }
0x1d: {  	s5 =	simm.s32 @p1 $0x1;
	p0 =	seq.s32 s7, s2  }
0x1e: {  	s7 =	smul.u32 @!p0 $0xF7A, s2;
	p2 =	seq.s32 @!p0 s5, $0x0  }
0x1f: {  	s9 =	smul.u32 $0xF7A, s1;
	s8 =	simm.s32 @!p0 $0x1BF5;
	p2 =	por !p2, p0  }
0x20: {  	[sflag:s8] =	ssyncset.s32 @!p0 $0xFFFFF086;
	s6 =	sadd.s32 @!p0 s3, s7;
	s7 =	simm.s32 @!p0 $0x108  }
0x21: {  	s3 =	sadd.s32 s3, s9;
	s6 =	sadd.s32 @!p0 $0x88, s6;
	s7 =	simm.s32 @p2 $0x1082  }
0x22: {  	[simem:s7], [sflag:s8] =	dma.local @!p0 [hbm:s6], $0xF7A  }
0x23: {  	s9 =	sor.u32 $0xD0000000, s2;
	s6 =	simm.s32 $0x108;
	_ =	swait.ge @!p0 [sflag:s8], $0x0  }
0x24: {  	s3 =	sadd.s32 $0x88, s3;
	s6 =	simm.s32 @!p1 $0x1082;
	[sflag:s4] =	ssyncset.s32 $0xFFFFF086  }
0x25: {  	[simem:s6], [sflag:s4] =	dma.local [hbm:s3], $0xF7A  }
0x26: {  	[smem:$0x3F97] =	sst s1;
	(tag) =	ssettag s2;
	_ =	strace s9  }
0x27: {  	s1 =	sld [smem:$0x3FA7]  }
0x28: {  	s2 =	sld [smem:$0x3FA8]  }
0x29: {  	s4 =	sld [smem:$0x3FAA]  }
0x2a: {  	p0 =	seq.s32 s5, $0x0;
	s5 =	sld [smem:$0x3FAB]  }
0x2b: {  	s6 =	sld [smem:$0x3FAC]  }
0x2c: {  	s7 =	sld [smem:$0x3FAD]  }
0x2d: {  	s3 =	simm.s32 $0x108;
	s8 =	sld [smem:$0x3FAE]  }
0x2e: {  	s3 =	simm.s32 @!p0 $0x1082;
	s9 =	sld [smem:$0x3FAF]  }
0x2f: {  	lr =	sadd.s32 s0, s3;
	s0 =	sld [smem:$0x3FA6]  }
0x30: {  	s3 =	sld [smem:$0x3FA9]  }
0x31: {  	[smem:$0x3FB2] =	sst s10  }
0x32: {  	s10 =	sld [smem:$0x3FB0];
	_ =	sdelay $0x3  }
0x33: {  	p0 =	seq.s32 s10, $0x1;
	s10 =	sld [smem:$0x3FB2];
	_ =	sdelay $0x3  }
0x34: {  	[smem:$0x3FB2] =	sst s10  }
0x35: {  	s10 =	sld [smem:$0x3FB1];
	_ =	sdelay $0x3  }
0x36: {  	p1 =	seq.s32 s10, $0x1;
	s10 =	sld [smem:$0x3FB2];
	_ =	sdelay $0x3  }
0x37: {  	[smem:$0x3FB2] =	sst s10  }
0x38: {  	s10 =	sld [smem:$0x3FB3]  }
0x39: {  	_ = 	snop;
	(pc) =	sbr.ind lr, $3  }
0x3a: {  	_ = 	snop  }
0x3b: {  	_ = 	snop  }
0x3c: {  	p2 =	seq.s32 s10, $0x1;
	s10 =	sld [smem:$0x3FB2]  }
0x3d: {  	_ =	shalt  }
0x3e: {  	_ =	shalt  }
0x3f: {  	_ =	shalt  }
0x40: {  	_ =	shalt  }
0x41: {  	_ =	shalt  }
0x42: {  	_ =	shalt  }
0x43: {  	_ =	shalt  }
0x44: {  	_ =	shalt  }
0x45: {  	_ =	shalt  }
0x46: {  	_ =	shalt  }
0x47: {  	_ =	shalt  }
0x48: {  	_ =	shalt  }
0x49: {  	_ =	shalt  }
0x4a: {  	_ =	shalt  }
0x4b: {  	_ =	shalt  }
0x4c: {  	_ =	shalt  }
0x4d: {  	_ =	shalt  }
0x4e: {  	_ =	shalt  }
0x4f: {  	_ =	shalt  }
0x50: {  	_ =	shalt  }
0x51: {  	_ =	shalt  }
0x52: {  	_ =	shalt  }
0x53: {  	_ =	shalt  }
0x54: {  	_ =	shalt  }
0x55: {  	_ =	shalt  }
0x56: {  	_ =	shalt  }
0x57: {  	_ =	shalt  }
0x58: {  	_ =	shalt  }
0x59: {  	_ =	shalt  }
0x5a: {  	_ =	shalt  }
0x5b: {  	_ =	shalt  }
0x5c: {  	_ =	shalt  }
0x5d: {  	_ =	shalt  }
0x5e: {  	_ =	shalt  }
0x5f: {  	_ =	shalt  }
0x60: {  	_ =	shalt  }
0x61: {  	_ =	shalt  }
0x62: {  	_ =	shalt  }
0x63: {  	_ =	shalt  }
0x64: {  	_ =	shalt  }
0x65: {  	_ =	shalt  }
0x66: {  	_ =	shalt  }
0x67: {  	_ =	shalt  }
0x68: {  	_ =	shalt  }
0x69: {  	_ =	shalt  }
0x6a: {  	_ =	shalt  }
0x6b: {  	_ =	shalt  }
0x6c: {  	_ =	shalt  }
0x6d: {  	_ =	shalt  }
0x6e: {  	_ =	shalt  }
0x6f: {  	_ =	shalt  }
0x70: {  	_ =	shalt  }
0x71: {  	_ =	shalt  }
0x72: {  	_ =	shalt  }
0x73: {  	_ =	shalt  }
0x74: {  	_ =	shalt  }
0x75: {  	_ =	shalt  }
0x76: {  	_ =	shalt  }
0x77: {  	_ =	shalt  }
0x78: {  	_ =	shalt  }
0x79: {  	_ =	shalt  }
0x7a: {  	_ =	shalt  }
0x7b: {  	_ =	shalt  }
0x7c: {  	_ =	shalt  }
0x7d: {  	_ =	shalt  }
0x7e: {  	_ =	shalt  }
0x7f: {  	_ =	shalt  }
0x80: {  	_ =	shalt  }
0x81: {  	_ =	shalt  }
0x82: {  	_ =	shalt  }
0x83: {  	_ =	shalt  }
0x84: {  	_ =	shalt  }
0x85: {  	_ =	shalt  }
0x86: {  	_ =	shalt  }
0x87: {  	_ =	shalt  }
.Lfunc_end0:
.L_simem_size_0:
called_computation_lowered:
.L_overlay_start_0:
0x88: {  	s2 =	sld [smem:$0x3FD9]  }
0x89: {  	s3 =	sld [smem:$0x3FFE];
	_ =	sdelay $0x1  }
0x8a: {  	s1 =	srdreg.scid  }
0x8b: {  	s0 =	sand.u32 $0x1, s1  }
0x8c: {  	s17 =	sshll.u32 s0, $0xA;
	s2 =	sadd.s32 s3, s2  }
0x8d: {  	s2 =	sadd.s32 s2, s17  }
0x8e: {  	[smem:$0x3FBE] =	sst s2  }
0x8f: {  	_ = 	snop  }
0x90: {  	s2 =	sld [smem:$0x3FD0];
	(tm) =	ssettm $0x1  }
0x91: {  	s18 =	sld [smem:$0x3FFB];
	_ =	sdelay $0x3  }
0x92: {  	_ =	strace s18  }
0x93: {  	s3 =	sld [smem:$0x3FFC];
	_ =	sdelay $0x3  }
0x94: {  	_ =	strace s3  }
0x95: {  	s3 =	sld [smem:$0x3FFD];
	_ =	sdelay $0x3  }
0x96: {  	_ =	strace s3  }
0x97: {  	_ =	strace $0x8FFFFFFF  }
0x98: {  	s19 =	sld [smem:$0x3FDB];
	_ =	sdelay $0x1  }
0x99: {  	s4 =	simm.s32 $_scs_section_size  }
0x9a: {  	s5 =	simm.s32 $_size__tile_overlayer_lowered;
	s6 =	simm.s32 $_tile_overlayer_lowered  }
0x9b: {  	s22 =	simm.s32 $0x1BFF;
	s21 =	sshll.u32 s6, $0x1;
	s3 =	sadd.s32 s4, s19  }
0x9c: {  	s7 =	simm.s32 $0x0;
	s20 =	sshll.u32 s5, $0x1;
	s5 =	sadd.s32 s21, s3  }
0x9d: {  	[timem:s7], [sflag:s22] =	dma.local [hbm:s5], s20  }
0x9e: {  	_ =	swait.ge [sflag:s22], s20  }
0x9f: {  	s4 =	ssub.s32 $0x0, s20;
	[sflag:s22] =	ssyncset.done $0x0  }
0xa0: {  	[sflag:s22] =	ssyncadd.s32 s4;
	_ =	sdelay $0x1  }
0xa1: {  	s23 =	simm.s32 $0x1B8B  }
0xa2: {  	_ =	swait.ge [sflag:s23], $0x1  }
0xa3: {  	[sflag:s23] =	ssyncset.done $0x0  }
0xa4: {  	s25 =	simm.s32 $0x1B8E;
	s24 =	sld [smem:$0x3FFE];
	[sflag:s23] =	ssyncadd.s32 $0xFFFFFFFF  }
0xa5: {  	s26 =	simm.s32 $execute0_lowered;
	[smem:$0x3FD2] =	sst s25  }
0xa6: {  	s5 =	sshll.u32 s26, $0x1;
	_ =	strace $0x80000046;
	[dreg:$0x1] =	wrdreg $0xFFFFFFFF  }
0xa7: {  	s28 =	simm.s32 $_size_execute0_lowered;
	s3 =	sadd.s32 s3, s5;
	[dreg:$0x0] =	wrdreg $0x0  }
0xa8: {  	s5 =	sshll.u32 s28, $0x1;
	[dreg:$0x2] =	wrdreg s3  }
0xa9: {  	[dreg:$0x3] =	wrdreg s5  }
0xaa: {  	[dreg:$0x4] =	wrdreg $0xC0  }
0xab: {  	_ =	task [dreg:s7], $0x5FFFF  }
0xac: {  	[dreg:$0x1] =	wrdreg $0xFFFFFFFF  }
0xad: {  	[dreg:$0x0] =	wrdreg $0x60  }
0xae: {  	[dreg:$0x2] =	wrdreg s2  }
0xaf: {  	[dreg:$0x3] =	wrdreg s24  }
0xb0: {  	[dreg:$0x4] =	wrdreg $0x0  }
0xb1: {  	[dreg:$0x5] =	wrdreg $0x9  }
0xb2: {  	_ =	task.clear_ibuf [dreg:s7], $0x6FFFF;
	_ =	strace $0x90000046  }
0xb3: {  	s29 =	simm.s32 $0x9;
	_ =	strace $0x80000048  }
0xb4: {  	_ =	swait.ge [sflag:s29], $0x1  }
0xb5: {  	[sflag:s29] =	ssyncadd.s32 $0xFFFFFFFF  }
0xb6: {  	_ =	strace $0x90000048  }
0xb7: {  	_ =	sfence  }
0xb8: {  	s30 =	sld [smem:$0x0];
	_ =	sdelay $0x2  }
0xb9: {  	s31 =	sshll.u32 s1, $0xD;
	s1 =	sshrl.u32 s1, $0x2  }
0xba: {  	s3 =	sand.u32 $0x4000, s31;
	s1 =	sadd.s32 s1, s30  }
0xbb: {  	s0 =	sor.u32 s3, s0;
	s1 =	sshll.u32 s1, $0x11  }
0xbc: {  	s0 =	sor.u32 s1, s0  }
0xbd: {  	s0 =	sadd.s32 $0x8F2B, s0  }
0xbe: {  	[sflag:s0] =	ssyncadd.remote.s32 $0x1  }
0xbf: {  	_ =	sfence.sel $0xFFFF  }
0xc0: {  	[dreg:$0x0] =	wrdreg $0xFFFFFFFF;
	(pc) =	sbr.abs _section_cstart, $3  }
0xc1: {  	[dreg:$0x1] =	wrdreg $0xFFFFFFFF  }
0xc2: {  	_ =	task.clear_ibuf [dreg:s7], $0x2FFFF;
	_ =	strace $0x9FFFFFFF  }
0xc3: {  	(tm) =	ssettm $0x7FFFFFFF  }
tec
execute0_lowered:
.L_overlay_start_1:
0x0: {  	(tag) =	ssettag $0x1  }
0x1: {  	s0 =	rddreg [dreg:$0x0]  }
0x2: {  	s1 =	rddreg [dreg:$0x1]  }
0x3: {  	s2 =	rddreg [dreg:$0x2];
	s5 =	simm.s32 $0x0  }
0x4: {  	s3 =	stileid.u32;
	s4 =	srdreg.scid;
	s19 =	simm.s32 $0x2  }
0x5: {  	s23 =	simm.s32 $0x80;
	s24 =	simm.s32 $0x18900;
	s25 =	simm.s32 $0x1  }
0x6: {  	s26 =	simm.s32 $0x0;
	[smem:$0x7FF] =	sst s5;
	s30 =	smul.u32 $0x500, s3  }
0x7: {  	s17 =	sand.u32 $0x1, s4;
	s11 =	smul.u32 $0x2700, s3;
	s4 =	sadd.s32 $0xCC00, s1  }
0x8: {  	s8 =	smul.u32 $0x4E000, s3;
	s10 =	sadd.s32 $0x31500, s1;
	s12 =	sadd.s32 $0x24900, s0  }
0x9: {  	s14 =	sadd.s32 $0x7F900, s1;
	s16 =	sadd.s32 $0x58700, s1;
	_ =	strace $0x80000047  }
0xa: {  	s6 =	ssub.s32 $0x2, s17;
	p0 =	seq.s32 s17, $0x0;
	p3 =	sne.s32 s17, $0x0  }
0xb: {  	s7 =	sshrl.u32 s6, $0x1;
	s9 =	sadd.s32 s30, s1;
	s15 =	sadd.s32 s11, s1  }
0xc: {  	s31 =	sshrl.u32 s8, $0x2;
	s8 =	sadd.s32 s4, s11;
	s11 =	sadd.s32 s0, s11  }
0xd: {  	s4 =	smov.u32 @p0 s0;
	p1 =	seq.s32 @p3 s3, $0xF;
	p4 =	seq.s32 @!p3 s3, $0xF  }
0xe: {  	s18 =	ssub.s32 s6, s7;
	s5 =	sadd.s32 $0x7C00, s9;
	s6 =	sadd.s32 $0x2C00, s9  }
0xf: {  	s7 =	sadd.s32 s31, s2;
	s9 =	sadd.s32 $0x124800, s2;
	s13 =	sadd.s32 $0x5B000, s15  }
0x10: {  	s15 =	sadd.s32 $0x33E00, s15;
	p0 =	por p1, !p3;
	p1 =	por !p1, !p3  }
0x11: {  	p2 =	por !p4, p3;
	p3 =	por p4, p3;
	s0 =	sshll.u32 @!p0 s3, $0x6  }
0x12: {  	s17 =	smax.u32 s18, $0x1;
	s21 =	sshrl.u32 @!p1 s9, $0x3;
	s22 =	sor.u32 @!p0 $0x1C02, s0  }
.LBB2_1:
0x13: {  	s0 =	simm.s32 $0x0;
	s1 =	simm.s32 $0x13900  }
0x14: {  	[tilespmem:s1], [sflag:$0x2] =	stream.linear.gather [hbm4b:s5+s0], $0x2780, $0x38;
	[tilespmem:$0x1C900] =	vst v63  }
0x15: {  	_ =	swait.ge [sflag:s19], $0x2780  }
0x16: {  	[sflag:s19] =	ssyncset.done $0x0  }
0x17: {  	s3 =	simm.s32 $0x16100;
	[sflag:s19] =	ssyncadd.s32 $0xFFFFD880  }
0x18: {  	[tilespmem:s3], [sflag:$0x2] =	stream.linear.gather [hbm4b:s6+s0], $0x2780, $0x38;
	[tilespmem:$0x1C900] =	vst v63  }
0x19: {  	_ =	swait.ge [sflag:s19], $0x2780  }
0x1a: {  	[sflag:s19] =	ssyncset.done $0x0  }
0x1b: {  	s0 =	simm.s32 @!p1 $0x1FC2;
	[sflag:s19] =	ssyncadd.s32 $0xFFFFD880  }
0x1c: {  	[spmem:s21], [sflag:s0] =	dma.local @!p1 [hbm:s10], $0x2800  }
0x1d: {  	s0 =	simm.s32 @!p1 $0x2  }
0x1e: {  	_ =	swait.ge @!p1 [sflag:s0], $0x2800  }
0x1f: {  	[sflag:s0] =	ssyncset.done @!p1 $0x0  }
0x20: {  	s28 =	sshrl.u32 @!p0 s7, $0x3;
	[sflag:s0] =	ssyncadd.s32 @!p1 $0xFFFFD800;
	s0 =	simm.s32 @!p0 $0x2  }
0x21: {  	[spmem:s28], [sflag:s22] =	dma.local @!p0 [hbm:s8], $0x2700  }
0x22: {  	_ =	swait.ge @!p0 [sflag:s0], $0x2700  }
0x23: {  	[sflag:s0] =	ssyncset.done @!p0 $0x0  }
0x24: {  	s29 =	sshrl.u32 @!p2 s9, $0x3;
	[sflag:s0] =	ssyncadd.s32 @!p0 $0xFFFFD900;
	s0 =	simm.s32 @!p2 $0x1FC2  }
0x25: {  	[spmem:s29], [sflag:s0] =	dma.local @!p2 [hbm:s12], $0x2800  }
0x26: {  	s0 =	simm.s32 @!p2 $0x2  }
0x27: {  	s1 =	stileid.u32;
	_ =	swait.ge @!p2 [sflag:s0], $0x2800  }
0x28: {  	s31 =	sshrl.u32 @!p3 s7, $0x3;
	s1 =	sshll.u32 @!p3 s1, $0x6;
	[sflag:s0] =	ssyncset.done @!p2 $0x0  }
0x29: {  	s30 =	sor.u32 @!p3 $0x1C02, s1;
	[sflag:s0] =	ssyncadd.s32 @!p2 $0xFFFFD800;
	s0 =	simm.s32 @!p3 $0x2  }
0x2a: {  	[spmem:s31], [sflag:s30] =	dma.local @!p3 [hbm:s11], $0x2700  }
0x2b: {  	_ =	swait.ge @!p3 [sflag:s0], $0x2700  }
0x2c: {  	[sflag:s0] =	ssyncset.done @!p3 $0x0  }
0x2d: {  	[sflag:s0] =	ssyncadd.s32 @!p3 $0xFFFFD900  }
0x2e: {  	s18 =	simm.s32 $0x13900;
	[bflag:$0x0] =	sbarrier.arrive $0xFFFF  }
0x2f: {  	[tilespmem:s24], [sflag:$0x1] =	stream.indirect.gather [hbm4b:s4+s23], $0x80, s18, s23, $0xb8;
	[tilespmem:$0x1C900] =	vst v63  }
0x30: {  	_ =	swait.ge [sflag:s25], $0x4000  }
0x31: {  	[sflag:s25] =	ssyncset.done $0x0  }
0x32: {  	s20 =	simm.s32 $0x16100;
	[sflag:s25] =	ssyncadd.s32 $0xFFFFC000  }
0x33: {  	[spmem:s2] =	stream.indirect.scatter.add.f32 [tilespmem:s24], [sflag:$0x2], $0x80, s20, s23, $0xb8;
	[tilespmem:$0x1C900] =	vst v63  }
0x34: {  	_ =	swait.ge [sflag:s19], $0x4000  }
0x35: {  	s1 =	simm.s32 $0x400;
	s0 =	simm.s32 $0x80;
	[sflag:s19] =	ssyncset.done $0x0  }
.LBB2_2:
0x36: {  	s18 =	sadd.s32 $0x13900, s0  }
0x37: {  	[sflag:s19] =	ssyncadd.s32 $0xFFFFC000;
	s20 =	smov.u32 s1;
	s3 =	sadd.s32 $0x200, s1  }
0x38: {  	[tilespmem:s24], [sflag:$0x1] =	stream.indirect.gather [hbm4b:s4+s23], $0x80, s18, s23, $0xb8;
	[tilespmem:$0x1C900] =	vst v63  }
0x39: {  	p4 =	sne.s32 s1, $0x9C00;
	_ =	swait.ge [sflag:s25], $0x4000  }
.Ltmp0:
0x3a: {  	[sflag:s25] =	ssyncset.done $0x0;
	(pc) =	sbr.rel @p4 .LBB2_2-.Ltmp0, $4  }
0x3b: {  	s0 =	sadd.s32 $0x16100, s0;
	[sflag:s25] =	ssyncadd.s32 $0xFFFFC000  }
0x3c: {  	[spmem:s2] =	stream.indirect.scatter.add.f32 [tilespmem:s24], [sflag:$0x2], $0x80, s0, s23, $0xb8;
	[tilespmem:$0x1C900] =	vst v63  }
0x3d: {  	_ =	swait.ge [sflag:s19], $0x4000  }
0x3e: {  	s1 =	smov.u32 s3;
	s0 =	sshra.s32 s20, $0x2;
	[sflag:s19] =	ssyncset.done $0x0  }
0x3f: {  	s1 =	sadd.s32 $0x13900, s0;
	[sflag:s19] =	ssyncadd.s32 $0xFFFFC000  }
0x40: {  	[tilespmem:s24], [sflag:$0x1] =	stream.indirect.gather [hbm4b:s4+s23], $0x80, s1, s23, $0xb8;
	[tilespmem:$0x1C900] =	vst v63  }
0x41: {  	_ =	swait.ge [sflag:s25], $0x4000  }
0x42: {  	[sflag:s25] =	ssyncset.done $0x0  }
0x43: {  	s20 =	sadd.s32 $0x16100, s0;
	[sflag:s25] =	ssyncadd.s32 $0xFFFFC000  }
0x44: {  	[spmem:s2] =	stream.indirect.scatter.add.f32 [tilespmem:s24], [sflag:$0x2], $0x80, s20, s23, $0xb8;
	[tilespmem:$0x1C900] =	vst v63  }
0x45: {  	_ =	swait.ge [sflag:s19], $0x4000  }
0x46: {  	[sflag:s19] =	ssyncset.done $0x0  }
0x47: {  	[sflag:s19] =	ssyncadd.s32 $0xFFFFC000  }
0x48: {  	s0 =	simm.s32 @!p1 $0x1FC2;
	[bflag:$0x0] =	sbarrier.arrive $0xFFFF  }
0x49: {  	[hbm:s14], [sflag:s0] =	dma.local @!p1 [spmem:s21], $0x2800  }
0x4a: {  	s0 =	simm.s32 @!p1 $0x2  }
0x4b: {  	_ =	swait.ge @!p1 [sflag:s0], $0x2800  }
0x4c: {  	[sflag:s0] =	ssyncset.done @!p1 $0x0  }
0x4d: {  	[sflag:s0] =	ssyncadd.s32 @!p1 $0xFFFFD800;
	s0 =	simm.s32 @!p0 $0x2  }
0x4e: {  	[hbm:s13], [sflag:s22] =	dma.local @!p0 [spmem:s28], $0x2700  }
0x4f: {  	_ =	swait.ge @!p0 [sflag:s0], $0x2700  }
0x50: {  	[sflag:s0] =	ssyncset.done @!p0 $0x0  }
0x51: {  	[sflag:s0] =	ssyncadd.s32 @!p0 $0xFFFFD900;
	s0 =	simm.s32 @!p2 $0x1FC2  }
0x52: {  	[hbm:s16], [sflag:s0] =	dma.local @!p2 [spmem:s29], $0x2800  }
0x53: {  	s0 =	simm.s32 @!p2 $0x2  }
0x54: {  	s26 =	sadd.s32 $0x1, s26;
	_ =	swait.ge @!p2 [sflag:s0], $0x2800  }
0x55: {  	p4 =	sne.s32 s26, s17;
	[sflag:s0] =	ssyncset.done @!p2 $0x0  }
.Ltmp1:
0x56: {  	[sflag:s0] =	ssyncadd.s32 @!p2 $0xFFFFD800;
	s0 =	simm.s32 @!p3 $0x2;
	(pc) =	sbr.rel @p4 .LBB2_1-.Ltmp1, $4  }
0x57: {  	[hbm:s15], [sflag:s30] =	dma.local @!p3 [spmem:s31], $0x2700  }
0x58: {  	_ =	swait.ge @!p3 [sflag:s0], $0x2700  }
0x59: {  	[sflag:s0] =	ssyncset.done @!p3 $0x0  }
0x5a: {  	[sflag:s0] =	ssyncadd.s32 @!p3 $0xFFFFD900  }
0x5b: {  	_ =	sfence.sel $0x180000  }
0x5c: {  	[bflag:$0x0] =	sbarrier.arrive $0xFFFF  }
0x5d: {  	_ =	strace $0x90000047  }
0x5e: {  	s0 =	stileid.u32;
	[bflag:$0x2] =	sbarrier.arrive $0xFFFF  }
0x5f: {  	p0 =	sne.s32 s0, $0x0;
	s0 =	rddreg [dreg:$0x3]  }
0x60: {  	s0 =	sadd.s32 @!p0 $0x100000, s0  }
0x61: {  	[sflag:s0] =	ssyncadd.tile.s32 @!p0 $0x1;
	_ =	shalt  }
.Lfunc_end2:
_tile_overlayer_lowered:
.L_overlay_start_2:
0x62: {  	(tag) =	ssettag $0x2  }
0x63: {  	s0 =	rddreg [dreg:$0x0];
	s2 =	stileid.u32  }
0x64: {  	s1 =	rddreg [dreg:$0x1];
	p0 =	sne.s32 s2, $0x0  }
0x65: {  	s3 =	rddreg [dreg:$0x2];
	[bflag:$0x3] =	sbarrier.arrive $0xFFFF;
	s2 =	simm.s32 @!p0 $0x1C02  }
0x66: {  	[timem:s3], [sflag:s2] =	dma.local @!p0 [hbm:s0], s1  }
0x67: {  	s0 =	simm.s32 @!p0 $0x2  }
0x68: {  	_ =	swait.ge @!p0 [sflag:s0], s1  }
0x69: {  	s1 =	ssub.s32 @!p0 $0x0, s1;
	[sflag:s0] =	ssyncset.done @!p0 $0x0  }
0x6a: {  	[sflag:s0] =	ssyncadd.s32 @!p0 s1  }
0x6b: {  	[bflag:$0x3] =	sbarrier.arrive $0xFFFF  }
0x6c: {  	_ =	shalt  }

</sc_bundles>
